<compile_context>
chip_gen: v7x
topology: tpu7x:2x2x1
jax: 0.10.2.dev20260603
libtpu: 0.0.44.dev20260713+nightly
codegen_flags: <defaults>
</compile_context>

<pallas_src>
import functools

import jax
import jax.numpy as jnp
from jax import lax
from jax.experimental import pallas as pl
from jax.experimental.pallas import tpu as pltpu
from jax.experimental.pallas import tpu_sc as plsc

B, S, D = 4, 2048, 768
P, L, K = 64, 5, 8
KL = K * L
LD = L * D
CHUNK = 1024
NCHUNK = S // CHUNK
EPS = 1e-12


def _routing_body(x_ref, pkey_ref, out_ref, sim_ref, idx_ref,
                  rsim_ref, acc_ref, copy_sem):
    i = pl.program_id(0)
    xb = x_ref[...]
    psum = jnp.sum(xb, axis=1)

    @pl.when(i == 0)
    def _():
        acc_ref[...] = psum

    @pl.when(i > 0)
    def _():
        acc_ref[...] = acc_ref[...] + psum

    cp = pltpu.make_async_copy(
        x_ref, out_ref.at[:, pl.ds(KL + i * CHUNK, CHUNK), :], copy_sem)
    cp.start()

    @pl.when(i == NCHUNK - 1)
    def _():
        mean = acc_ref[...] * (1.0 / S)
        xn = mean * jax.lax.rsqrt(
            jnp.maximum(jnp.sum(mean * mean, axis=1, keepdims=True), EPS))
        pk = pkey_ref[...]
        pn = pk * jax.lax.rsqrt(
            jnp.maximum(jnp.sum(pk * pk, axis=1, keepdims=True), EPS))
        sim = jax.lax.dot_general(
            xn, pn, (((1,), (1,)), ((), ())),
            preferred_element_type=jnp.float32,
            precision=jax.lax.Precision.DEFAULT)
        sim_ref[...] = sim

        lane = jax.lax.broadcasted_iota(jnp.int32, (B, P), 1)
        work = sim
        rs = jnp.float32(0.0)
        cols = []
        for k in range(K):
            m = jnp.max(work, axis=1, keepdims=True)
            sel = jnp.min(jnp.where(work == m, lane, P), axis=1,
                          keepdims=True)
            cols.append(sel)
            rs = rs + jnp.sum(m)
            work = jnp.where(lane == sel, -jnp.inf, work)
        idx_ref[...] = jnp.concatenate(cols, axis=1)
        rsim_ref[...] = (rs * (1.0 / B)).reshape(1, 1)

    cp.wait()


def _stage_a(x_embed, prompt_key):
    return pl.pallas_call(
        _routing_body,
        grid=(NCHUNK,),
        in_specs=[
            pl.BlockSpec((B, CHUNK, D), lambda i: (0, i, 0)),
            pl.BlockSpec((P, D), lambda i: (0, 0)),
        ],
        out_specs=[
            pl.BlockSpec(memory_space=pltpu.MemorySpace.HBM),
            pl.BlockSpec((B, P), lambda i: (0, 0)),
            pl.BlockSpec((B, K), lambda i: (0, 0)),
            pl.BlockSpec((1, 1), lambda i: (0, 0)),
        ],
        out_shape=[
            jax.ShapeDtypeStruct((B, KL + S, D), jnp.float32),
            jax.ShapeDtypeStruct((B, P), jnp.float32),
            jax.ShapeDtypeStruct((B, K), jnp.int32),
            jax.ShapeDtypeStruct((1, 1), jnp.float32),
        ],
        scratch_shapes=[
            pltpu.VMEM((B, D), jnp.float32),
            pltpu.SemaphoreType.DMA,
        ],
        compiler_params=pltpu.CompilerParams(
            dimension_semantics=("arbitrary",)),
    )(x_embed, prompt_key)


def _sc_gather_body(prompt_hbm, idx_hbm, bp_hbm, idx_v, rows_v, sem):
    wid = lax.axis_index("s") * 2 + lax.axis_index("c")

    @pl.when(wid < B)
    def _():
        pltpu.sync_copy(idx_hbm.at[wid], idx_v)
        pltpu.async_copy(prompt_hbm.at[idx_v], rows_v, sem).wait()
        for k in range(K):
            pltpu.sync_copy(rows_v.at[k],
                            bp_hbm.at[pl.ds(wid * KL * D + k * LD, LD)])


_sc_gather = functools.partial(
    pl.kernel,
    mesh=plsc.VectorSubcoreMesh(core_axis_name="c", subcore_axis_name="s"),
    out_type=jax.ShapeDtypeStruct((B * KL * D,), jnp.float32),
    scratch_types=[
        pltpu.VMEM((K,), jnp.int32),
        pltpu.VMEM((K, LD), jnp.float32),
        pltpu.SemaphoreType.DMA,
    ],
)(_sc_gather_body)


def kernel(x_embed, prompt, prompt_key):
    out_big, sim, idx, rsim = _stage_a(x_embed, prompt_key)
    bp = _sc_gather(prompt.reshape(P, LD), idx)
    out = jax.lax.dynamic_update_slice(
        out_big, bp.reshape(B, KL, D), (0, 0, 0))
    return out, rsim.reshape(()), sim, idx

# --- scband reference (transcript-rebuilt; emitter-appended) ---
"""Pipeline reference for scband-prompt-20091857011401 (READ-ONLY COPY).

The authoritative reference and input builder live on the scoring server;
editing this copy changes nothing except your own understanding.
"""

import jax, jax.numpy as jnp
import numpy as np

B, S, D = 4, 2048, 768
POOL_SIZE, LENGTH, TOP_K = 64, 5, 8


def l2_normalize(x, axis=None, epsilon=1e-12):
    square_sum = jnp.sum(x ** 2, axis=axis, keepdims=True)
    x_inv_norm = jax.lax.rsqrt(jnp.maximum(square_sum, jnp.asarray(epsilon, dtype=x.dtype)))
    return x * x_inv_norm


def setup_inputs(seed: int = 0) -> dict:
    key = jax.random.key(seed)
    k1, k2, k3 = jax.random.split(key, 3)
    x_embed = jax.random.normal(k1, (B, S, D), dtype=jnp.float32)
    prompt = jax.random.uniform(k2, (POOL_SIZE, LENGTH, D), minval=-1.0, maxval=1.0, dtype=jnp.float32)
    prompt_key = jax.random.uniform(k3, (POOL_SIZE, D), minval=-1.0, maxval=1.0, dtype=jnp.float32)
    return {"x_embed": x_embed, "prompt": prompt, "prompt_key": prompt_key}


def reference(x_embed, prompt, prompt_key):
    # embedding_key == 'mean'
    x_embed_mean = jnp.mean(x_embed, axis=1)                      # [B, D]
    prompt_norm = l2_normalize(prompt_key, axis=1)                # [P, D]
    x_embed_norm = l2_normalize(x_embed_mean, axis=1)             # [B, D]
    similarity = jnp.matmul(x_embed_norm, prompt_norm.T)          # [B, P]
    # prompt_mask is None, batchwise_prompt False -> plain top-k
    _, idx = jax.lax.top_k(similarity, TOP_K)                     # [B, K]
    batched_prompt_raw = jnp.take(prompt, idx, axis=0)            # [B, K, L, D]
    b, k, l, c = batched_prompt_raw.shape
    batched_prompt = batched_prompt_raw.reshape(b, k * l, c)      # [B, K*L, D]
    batched_key_norm = jnp.take(prompt_norm, idx, axis=0)         # [B, K, D]
    sim = batched_key_norm * x_embed_norm[:, None, :]             # [B, K, D]
    reduce_sim = jnp.sum(sim) / x_embed.shape[0]
    prompted_embedding = jnp.concatenate([batched_prompt, x_embed], axis=1)  # [B, K*L+S, D]
    return prompted_embedding, reduce_sim, similarity, idx

if __name__ == "__main__":
    import jax
    _d = setup_inputs()
    print(jax.jit(kernel)(*tuple(_d.values())))

</pallas_src>

<mosaic_0001>
#map = affine_map<(d0, d1) -> (0, 0)>
#map1 = affine_map<(d0, d1) -> (0)>
module attributes {stable_mosaic.version = 14 : i64} {
  func.func @_sc_gather_body(%arg0: i32, %arg1: i32, %arg2: memref<64x3840xf32, #tpu.memory_space<hbm>>, %arg3: memref<4x8xi32, #tpu.memory_space<hbm>>, %arg4: memref<122880xf32, #tpu.memory_space<hbm>>, %arg5: memref<8xi32, #tpu.memory_space<vmem>>, %arg6: memref<8x3840xf32, #tpu.memory_space<vmem>>, %arg7: memref<!tpu.dma_semaphore, #tpu.memory_space<semaphore_mem>>) attributes {dimension_semantics = [#tpu.dimension_semantics<core_parallel>, #tpu.dimension_semantics<subcore_parallel>], iteration_bounds = array<i64: 2, 16>, scalar_prefetch = 0 : i64, scratch_operands = 3 : i64, tpu.core_type = #tpu.core_type<sc_vector_subcore>, window_params = [{transform_indices = #map}, {transform_indices = #map}, {transform_indices = #map1}]} {
    %mul3A = arith.constant 2 : i32
    %mul3A_0 = arith.muli %arg1, %mul3A : i32
    %add3A = arith.addi %mul3A_0, %arg0 : i32
    %lt3A = arith.constant 4 : i32
    %lt3A_1 = arith.cmpi slt, %add3A, %lt3A : i32
    %convert_element_type3A = arith.extui %lt3A_1 : i1 to i32
    %cond3A = arith.constant 0 : i32
    %cond3A_2 = arith.cmpi ne, %convert_element_type3A, %cond3A : i32
    scf.if %cond3A_2 {
      "tpu.region"() ({
        %run_scoped3A_62 = tpu.sem_alloc : memref<!tpu.dma_semaphore, #tpu.memory_space<semaphore_mem>>
        %dma_start3A_63 = arith.constant 0 : i32
        %dma_start3A_64 = tpu.memref_slice %arg3[%add3A, %dma_start3A_63] : memref<4x8xi32, #tpu.memory_space<hbm>> -> memref<1x8xi32, #tpu.memory_space<hbm>>
        %dma_start3A_65 = tpu.memref_squeeze %dma_start3A_64 : memref<1x8xi32, #tpu.memory_space<hbm>> -> memref<8xi32, #tpu.memory_space<hbm>>
        %dma_start3A_66 = arith.constant 0 : i32
        %dma_start3A_67 = tpu.memref_slice %arg3[%add3A, %dma_start3A_66] : memref<4x8xi32, #tpu.memory_space<hbm>> -> memref<1x8xi32, #tpu.memory_space<hbm>>
        %dma_start3A_68 = tpu.memref_squeeze %dma_start3A_67 : memref<1x8xi32, #tpu.memory_space<hbm>> -> memref<8xi32, #tpu.memory_space<hbm>>
        tpu.enqueue_dma source(%dma_start3A_68 : memref<8xi32, #tpu.memory_space<hbm>>) target(%arg5 : memref<8xi32, #tpu.memory_space<vmem>>) target_semaphore(%run_scoped3A_62 : memref<!tpu.dma_semaphore, #tpu.memory_space<semaphore_mem>>)
        %dma_wait3A_69 = arith.constant 0 : i32
        %dma_wait3A_70 = tpu.memref_slice %arg3[%add3A, %dma_wait3A_69] : memref<4x8xi32, #tpu.memory_space<hbm>> -> memref<1x8xi32, #tpu.memory_space<hbm>>
        %dma_wait3A_71 = tpu.memref_squeeze %dma_wait3A_70 : memref<1x8xi32, #tpu.memory_space<hbm>> -> memref<8xi32, #tpu.memory_space<hbm>>
        %dma_wait3A_72 = arith.constant 0 : i32
        %dma_wait3A_73 = tpu.memref_slice %arg3[%add3A, %dma_wait3A_72] : memref<4x8xi32, #tpu.memory_space<hbm>> -> memref<1x8xi32, #tpu.memory_space<hbm>>
        %dma_wait3A_74 = tpu.memref_squeeze %dma_wait3A_73 : memref<1x8xi32, #tpu.memory_space<hbm>> -> memref<8xi32, #tpu.memory_space<hbm>>
        tpu.wait_dma2 semaphore(%run_scoped3A_62 : memref<!tpu.dma_semaphore, #tpu.memory_space<semaphore_mem>>) src(%dma_wait3A_74 : memref<8xi32, #tpu.memory_space<hbm>>) dst(%arg5 : memref<8xi32, #tpu.memory_space<vmem>>)
        tpu.yield
      }) : () -> ()
      %dma_start3A = arith.constant 0 : i32
      %dma_start3A_3 = arith.constant 0 : i32
      %dma_start3A_4 = tpu.memref_slice %arg2[%dma_start3A, %dma_start3A_3] : memref<64x3840xf32, #tpu.memory_space<hbm>> -> memref<64x3840xf32, #tpu.memory_space<hbm>>
      tpu.enqueue_indirect_dma source(%dma_start3A_4 : memref<64x3840xf32, #tpu.memory_space<hbm>>) target(%arg6 : memref<8x3840xf32, #tpu.memory_space<vmem>>) offsets(%arg5 : memref<8xi32, #tpu.memory_space<vmem>>) semaphore(%arg7 : memref<!tpu.dma_semaphore, #tpu.memory_space<semaphore_mem>>)
      %dma_wait3A = arith.constant 0 : i32
      %dma_wait3A_5 = arith.constant 0 : i32
      %dma_wait3A_6 = tpu.memref_slice %arg2[%dma_wait3A, %dma_wait3A_5] : memref<64x3840xf32, #tpu.memory_space<hbm>> -> memref<64x3840xf32, #tpu.memory_space<hbm>>
      tpu.wait_indirect_dma semaphore(%arg7 : memref<!tpu.dma_semaphore, #tpu.memory_space<semaphore_mem>>) src(%dma_wait3A_6 : memref<64x3840xf32, #tpu.memory_space<hbm>>) dst(%arg6 : memref<8x3840xf32, #tpu.memory_space<vmem>>)
      %mul3A_7 = arith.constant 40 : i32
      %mul3A_8 = arith.muli %add3A, %mul3A_7 : i32
      %mul3A_9 = arith.constant 768 : i32
      %mul3A_10 = arith.muli %mul3A_8, %mul3A_9 : i32
      %add3A_11 = arith.constant 0 : i32
      %add3A_12 = arith.addi %mul3A_10, %add3A_11 : i32
      %run_scoped3A = arith.constant 0 : i32
      "tpu.region"() ({
        %run_scoped3A_62 = tpu.sem_alloc : memref<!tpu.dma_semaphore, #tpu.memory_space<semaphore_mem>>
        %dma_start3A_63 = arith.constant 0 : i32
        %dma_start3A_64 = tpu.memref_slice %arg6[%run_scoped3A, %dma_start3A_63] : memref<8x3840xf32, #tpu.memory_space<vmem>> -> memref<1x3840xf32, #tpu.memory_space<vmem>>
        %dma_start3A_65 = tpu.memref_squeeze %dma_start3A_64 : memref<1x3840xf32, #tpu.memory_space<vmem>> -> memref<3840xf32, #tpu.memory_space<vmem>>
        %dma_start3A_66 = tpu.memref_slice %arg4[%add3A_12] : memref<122880xf32, #tpu.memory_space<hbm>> -> memref<3840xf32, #tpu.memory_space<hbm>>
        %dma_start3A_67 = tpu.memref_slice %arg4[%add3A_12] : memref<122880xf32, #tpu.memory_space<hbm>> -> memref<3840xf32, #tpu.memory_space<hbm>>
        %dma_start3A_68 = arith.constant 0 : i32
        %dma_start3A_69 = tpu.memref_slice %arg6[%run_scoped3A, %dma_start3A_68] : memref<8x3840xf32, #tpu.memory_space<vmem>> -> memref<1x3840xf32, #tpu.memory_space<vmem>>
        %dma_start3A_70 = tpu.memref_squeeze %dma_start3A_69 : memref<1x3840xf32, #tpu.memory_space<vmem>> -> memref<3840xf32, #tpu.memory_space<vmem>>
        tpu.enqueue_dma source(%dma_start3A_70 : memref<3840xf32, #tpu.memory_space<vmem>>) target(%dma_start3A_67 : memref<3840xf32, #tpu.memory_space<hbm>>) target_semaphore(%run_scoped3A_62 : memref<!tpu.dma_semaphore, #tpu.memory_space<semaphore_mem>>)
        %dma_wait3A_71 = arith.constant 0 : i32
        %dma_wait3A_72 = tpu.memref_slice %arg6[%run_scoped3A, %dma_wait3A_71] : memref<8x3840xf32, #tpu.memory_space<vmem>> -> memref<1x3840xf32, #tpu.memory_space<vmem>>
        %dma_wait3A_73 = tpu.memref_squeeze %dma_wait3A_72 : memref<1x3840xf32, #tpu.memory_space<vmem>> -> memref<3840xf32, #tpu.memory_space<vmem>>
        %dma_wait3A_74 = tpu.memref_slice %arg4[%add3A_12] : memref<122880xf32, #tpu.memory_space<hbm>> -> memref<3840xf32, #tpu.memory_space<hbm>>
        %dma_wait3A_75 = tpu.memref_slice %arg4[%add3A_12] : memref<122880xf32, #tpu.memory_space<hbm>> -> memref<3840xf32, #tpu.memory_space<hbm>>
        %dma_wait3A_76 = arith.constant 0 : i32
        %dma_wait3A_77 = tpu.memref_slice %arg6[%run_scoped3A, %dma_wait3A_76] : memref<8x3840xf32, #tpu.memory_space<vmem>> -> memref<1x3840xf32, #tpu.memory_space<vmem>>
        %dma_wait3A_78 = tpu.memref_squeeze %dma_wait3A_77 : memref<1x3840xf32, #tpu.memory_space<vmem>> -> memref<3840xf32, #tpu.memory_space<vmem>>
        tpu.wait_dma2 semaphore(%run_scoped3A_62 : memref<!tpu.dma_semaphore, #tpu.memory_space<semaphore_mem>>) src(%dma_wait3A_78 : memref<3840xf32, #tpu.memory_space<vmem>>) dst(%dma_wait3A_75 : memref<3840xf32, #tpu.memory_space<hbm>>)
        tpu.yield
      }) : () -> ()
      %mul3A_13 = arith.constant 40 : i32
      %mul3A_14 = arith.muli %add3A, %mul3A_13 : i32
      %mul3A_15 = arith.constant 768 : i32
      %mul3A_16 = arith.muli %mul3A_14, %mul3A_15 : i32
      %add3A_17 = arith.constant 3840 : i32
      %add3A_18 = arith.addi %mul3A_16, %add3A_17 : i32
      %run_scoped3A_19 = arith.constant 1 : i32
      "tpu.region"() ({
        %run_scoped3A_62 = tpu.sem_alloc : memref<!tpu.dma_semaphore, #tpu.memory_space<semaphore_mem>>
        %dma_start3A_63 = arith.constant 0 : i32
        %dma_start3A_64 = tpu.memref_slice %arg6[%run_scoped3A_19, %dma_start3A_63] : memref<8x3840xf32, #tpu.memory_space<vmem>> -> memref<1x3840xf32, #tpu.memory_space<vmem>>
        %dma_start3A_65 = tpu.memref_squeeze %dma_start3A_64 : memref<1x3840xf32, #tpu.memory_space<vmem>> -> memref<3840xf32, #tpu.memory_space<vmem>>
        %dma_start3A_66 = tpu.memref_slice %arg4[%add3A_18] : memref<122880xf32, #tpu.memory_space<hbm>> -> memref<3840xf32, #tpu.memory_space<hbm>>
        %dma_start3A_67 = tpu.memref_slice %arg4[%add3A_18] : memref<122880xf32, #tpu.memory_space<hbm>> -> memref<3840xf32, #tpu.memory_space<hbm>>
        %dma_start3A_68 = arith.constant 0 : i32
        %dma_start3A_69 = tpu.memref_slice %arg6[%run_scoped3A_19, %dma_start3A_68] : memref<8x3840xf32, #tpu.memory_space<vmem>> -> memref<1x3840xf32, #tpu.memory_space<vmem>>
        %dma_start3A_70 = tpu.memref_squeeze %dma_start3A_69 : memref<1x3840xf32, #tpu.memory_space<vmem>> -> memref<3840xf32, #tpu.memory_space<vmem>>
        tpu.enqueue_dma source(%dma_start3A_70 : memref<3840xf32, #tpu.memory_space<vmem>>) target(%dma_start3A_67 : memref<3840xf32, #tpu.memory_space<hbm>>) target_semaphore(%run_scoped3A_62 : memref<!tpu.dma_semaphore, #tpu.memory_space<semaphore_mem>>)
        %dma_wait3A_71 = arith.constant 0 : i32
        %dma_wait3A_72 = tpu.memref_slice %arg6[%run_scoped3A_19, %dma_wait3A_71] : memref<8x3840xf32, #tpu.memory_space<vmem>> -> memref<1x3840xf32, #tpu.memory_space<vmem>>
        %dma_wait3A_73 = tpu.memref_squeeze %dma_wait3A_72 : memref<1x3840xf32, #tpu.memory_space<vmem>> -> memref<3840xf32, #tpu.memory_space<vmem>>
        %dma_wait3A_74 = tpu.memref_slice %arg4[%add3A_18] : memref<122880xf32, #tpu.memory_space<hbm>> -> memref<3840xf32, #tpu.memory_space<hbm>>
        %dma_wait3A_75 = tpu.memref_slice %arg4[%add3A_18] : memref<122880xf32, #tpu.memory_space<hbm>> -> memref<3840xf32, #tpu.memory_space<hbm>>
        %dma_wait3A_76 = arith.constant 0 : i32
        %dma_wait3A_77 = tpu.memref_slice %arg6[%run_scoped3A_19, %dma_wait3A_76] : memref<8x3840xf32, #tpu.memory_space<vmem>> -> memref<1x3840xf32, #tpu.memory_space<vmem>>
        %dma_wait3A_78 = tpu.memref_squeeze %dma_wait3A_77 : memref<1x3840xf32, #tpu.memory_space<vmem>> -> memref<3840xf32, #tpu.memory_space<vmem>>
        tpu.wait_dma2 semaphore(%run_scoped3A_62 : memref<!tpu.dma_semaphore, #tpu.memory_space<semaphore_mem>>) src(%dma_wait3A_78 : memref<3840xf32, #tpu.memory_space<vmem>>) dst(%dma_wait3A_75 : memref<3840xf32, #tpu.memory_space<hbm>>)
        tpu.yield
      }) : () -> ()
      %mul3A_20 = arith.constant 40 : i32
      %mul3A_21 = arith.muli %add3A, %mul3A_20 : i32
      %mul3A_22 = arith.constant 768 : i32
      %mul3A_23 = arith.muli %mul3A_21, %mul3A_22 : i32
      %add3A_24 = arith.constant 7680 : i32
      %add3A_25 = arith.addi %mul3A_23, %add3A_24 : i32
      %run_scoped3A_26 = arith.constant 2 : i32
      "tpu.region"() ({
        %run_scoped3A_62 = tpu.sem_alloc : memref<!tpu.dma_semaphore, #tpu.memory_space<semaphore_mem>>
        %dma_start3A_63 = arith.constant 0 : i32
        %dma_start3A_64 = tpu.memref_slice %arg6[%run_scoped3A_26, %dma_start3A_63] : memref<8x3840xf32, #tpu.memory_space<vmem>> -> memref<1x3840xf32, #tpu.memory_space<vmem>>
        %dma_start3A_65 = tpu.memref_squeeze %dma_start3A_64 : memref<1x3840xf32, #tpu.memory_space<vmem>> -> memref<3840xf32, #tpu.memory_space<vmem>>
        %dma_start3A_66 = tpu.memref_slice %arg4[%add3A_25] : memref<122880xf32, #tpu.memory_space<hbm>> -> memref<3840xf32, #tpu.memory_space<hbm>>
        %dma_start3A_67 = tpu.memref_slice %arg4[%add3A_25] : memref<122880xf32, #tpu.memory_space<hbm>> -> memref<3840xf32, #tpu.memory_space<hbm>>
        %dma_start3A_68 = arith.constant 0 : i32
        %dma_start3A_69 = tpu.memref_slice %arg6[%run_scoped3A_26, %dma_start3A_68] : memref<8x3840xf32, #tpu.memory_space<vmem>> -> memref<1x3840xf32, #tpu.memory_space<vmem>>
        %dma_start3A_70 = tpu.memref_squeeze %dma_start3A_69 : memref<1x3840xf32, #tpu.memory_space<vmem>> -> memref<3840xf32, #tpu.memory_space<vmem>>
        tpu.enqueue_dma source(%dma_start3A_70 : memref<3840xf32, #tpu.memory_space<vmem>>) target(%dma_start3A_67 : memref<3840xf32, #tpu.memory_space<hbm>>) target_semaphore(%run_scoped3A_62 : memref<!tpu.dma_semaphore, #tpu.memory_space<semaphore_mem>>)
        %dma_wait3A_71 = arith.constant 0 : i32
        %dma_wait3A_72 = tpu.memref_slice %arg6[%run_scoped3A_26, %dma_wait3A_71] : memref<8x3840xf32, #tpu.memory_space<vmem>> -> memref<1x3840xf32, #tpu.memory_space<vmem>>
        %dma_wait3A_73 = tpu.memref_squeeze %dma_wait3A_72 : memref<1x3840xf32, #tpu.memory_space<vmem>> -> memref<3840xf32, #tpu.memory_space<vmem>>
        %dma_wait3A_74 = tpu.memref_slice %arg4[%add3A_25] : memref<122880xf32, #tpu.memory_space<hbm>> -> memref<3840xf32, #tpu.memory_space<hbm>>
        %dma_wait3A_75 = tpu.memref_slice %arg4[%add3A_25] : memref<122880xf32, #tpu.memory_space<hbm>> -> memref<3840xf32, #tpu.memory_space<hbm>>
        %dma_wait3A_76 = arith.constant 0 : i32
        %dma_wait3A_77 = tpu.memref_slice %arg6[%run_scoped3A_26, %dma_wait3A_76] : memref<8x3840xf32, #tpu.memory_space<vmem>> -> memref<1x3840xf32, #tpu.memory_space<vmem>>
        %dma_wait3A_78 = tpu.memref_squeeze %dma_wait3A_77 : memref<1x3840xf32, #tpu.memory_space<vmem>> -> memref<3840xf32, #tpu.memory_space<vmem>>
        tpu.wait_dma2 semaphore(%run_scoped3A_62 : memref<!tpu.dma_semaphore, #tpu.memory_space<semaphore_mem>>) src(%dma_wait3A_78 : memref<3840xf32, #tpu.memory_space<vmem>>) dst(%dma_wait3A_75 : memref<3840xf32, #tpu.memory_space<hbm>>)
        tpu.yield
      }) : () -> ()
      %mul3A_27 = arith.constant 40 : i32
      %mul3A_28 = arith.muli %add3A, %mul3A_27 : i32
      %mul3A_29 = arith.constant 768 : i32
      %mul3A_30 = arith.muli %mul3A_28, %mul3A_29 : i32
      %add3A_31 = arith.constant 11520 : i32
      %add3A_32 = arith.addi %mul3A_30, %add3A_31 : i32
      %run_scoped3A_33 = arith.constant 3 : i32
      "tpu.region"() ({
        %run_scoped3A_62 = tpu.sem_alloc : memref<!tpu.dma_semaphore, #tpu.memory_space<semaphore_mem>>
        %dma_start3A_63 = arith.constant 0 : i32
        %dma_start3A_64 = tpu.memref_slice %arg6[%run_scoped3A_33, %dma_start3A_63] : memref<8x3840xf32, #tpu.memory_space<vmem>> -> memref<1x3840xf32, #tpu.memory_space<vmem>>
        %dma_start3A_65 = tpu.memref_squeeze %dma_start3A_64 : memref<1x3840xf32, #tpu.memory_space<vmem>> -> memref<3840xf32, #tpu.memory_space<vmem>>
        %dma_start3A_66 = tpu.memref_slice %arg4[%add3A_32] : memref<122880xf32, #tpu.memory_space<hbm>> -> memref<3840xf32, #tpu.memory_space<hbm>>
        %dma_start3A_67 = tpu.memref_slice %arg4[%add3A_32] : memref<122880xf32, #tpu.memory_space<hbm>> -> memref<3840xf32, #tpu.memory_space<hbm>>
        %dma_start3A_68 = arith.constant 0 : i32
        %dma_start3A_69 = tpu.memref_slice %arg6[%run_scoped3A_33, %dma_start3A_68] : memref<8x3840xf32, #tpu.memory_space<vmem>> -> memref<1x3840xf32, #tpu.memory_space<vmem>>
        %dma_start3A_70 = tpu.memref_squeeze %dma_start3A_69 : memref<1x3840xf32, #tpu.memory_space<vmem>> -> memref<3840xf32, #tpu.memory_space<vmem>>
        tpu.enqueue_dma source(%dma_start3A_70 : memref<3840xf32, #tpu.memory_space<vmem>>) target(%dma_start3A_67 : memref<3840xf32, #tpu.memory_space<hbm>>) target_semaphore(%run_scoped3A_62 : memref<!tpu.dma_semaphore, #tpu.memory_space<semaphore_mem>>)
        %dma_wait3A_71 = arith.constant 0 : i32
        %dma_wait3A_72 = tpu.memref_slice %arg6[%run_scoped3A_33, %dma_wait3A_71] : memref<8x3840xf32, #tpu.memory_space<vmem>> -> memref<1x3840xf32, #tpu.memory_space<vmem>>
        %dma_wait3A_73 = tpu.memref_squeeze %dma_wait3A_72 : memref<1x3840xf32, #tpu.memory_space<vmem>> -> memref<3840xf32, #tpu.memory_space<vmem>>
        %dma_wait3A_74 = tpu.memref_slice %arg4[%add3A_32] : memref<122880xf32, #tpu.memory_space<hbm>> -> memref<3840xf32, #tpu.memory_space<hbm>>
        %dma_wait3A_75 = tpu.memref_slice %arg4[%add3A_32] : memref<122880xf32, #tpu.memory_space<hbm>> -> memref<3840xf32, #tpu.memory_space<hbm>>
        %dma_wait3A_76 = arith.constant 0 : i32
        %dma_wait3A_77 = tpu.memref_slice %arg6[%run_scoped3A_33, %dma_wait3A_76] : memref<8x3840xf32, #tpu.memory_space<vmem>> -> memref<1x3840xf32, #tpu.memory_space<vmem>>
        %dma_wait3A_78 = tpu.memref_squeeze %dma_wait3A_77 : memref<1x3840xf32, #tpu.memory_space<vmem>> -> memref<3840xf32, #tpu.memory_space<vmem>>
        tpu.wait_dma2 semaphore(%run_scoped3A_62 : memref<!tpu.dma_semaphore, #tpu.memory_space<semaphore_mem>>) src(%dma_wait3A_78 : memref<3840xf32, #tpu.memory_space<vmem>>) dst(%dma_wait3A_75 : memref<3840xf32, #tpu.memory_space<hbm>>)
        tpu.yield
      }) : () -> ()
      %mul3A_34 = arith.constant 40 : i32
      %mul3A_35 = arith.muli %add3A, %mul3A_34 : i32
      %mul3A_36 = arith.constant 768 : i32
      %mul3A_37 = arith.muli %mul3A_35, %mul3A_36 : i32
      %add3A_38 = arith.constant 15360 : i32
      %add3A_39 = arith.addi %mul3A_37, %add3A_38 : i32
      %run_scoped3A_40 = arith.constant 4 : i32
      "tpu.region"() ({
        %run_scoped3A_62 = tpu.sem_alloc : memref<!tpu.dma_semaphore, #tpu.memory_space<semaphore_mem>>
        %dma_start3A_63 = arith.constant 0 : i32
        %dma_start3A_64 = tpu.memref_slice %arg6[%run_scoped3A_40, %dma_start3A_63] : memref<8x3840xf32, #tpu.memory_space<vmem>> -> memref<1x3840xf32, #tpu.memory_space<vmem>>
        %dma_start3A_65 = tpu.memref_squeeze %dma_start3A_64 : memref<1x3840xf32, #tpu.memory_space<vmem>> -> memref<3840xf32, #tpu.memory_space<vmem>>
        %dma_start3A_66 = tpu.memref_slice %arg4[%add3A_39] : memref<122880xf32, #tpu.memory_space<hbm>> -> memref<3840xf32, #tpu.memory_space<hbm>>
        %dma_start3A_67 = tpu.memref_slice %arg4[%add3A_39] : memref<122880xf32, #tpu.memory_space<hbm>> -> memref<3840xf32, #tpu.memory_space<hbm>>
        %dma_start3A_68 = arith.constant 0 : i32
        %dma_start3A_69 = tpu.memref_slice %arg6[%run_scoped3A_40, %dma_start3A_68] : memref<8x3840xf32, #tpu.memory_space<vmem>> -> memref<1x3840xf32, #tpu.memory_space<vmem>>
        %dma_start3A_70 = tpu.memref_squeeze %dma_start3A_69 : memref<1x3840xf32, #tpu.memory_space<vmem>> -> memref<3840xf32, #tpu.memory_space<vmem>>
        tpu.enqueue_dma source(%dma_start3A_70 : memref<3840xf32, #tpu.memory_space<vmem>>) target(%dma_start3A_67 : memref<3840xf32, #tpu.memory_space<hbm>>) target_semaphore(%run_scoped3A_62 : memref<!tpu.dma_semaphore, #tpu.memory_space<semaphore_mem>>)
        %dma_wait3A_71 = arith.constant 0 : i32
        %dma_wait3A_72 = tpu.memref_slice %arg6[%run_scoped3A_40, %dma_wait3A_71] : memref<8x3840xf32, #tpu.memory_space<vmem>> -> memref<1x3840xf32, #tpu.memory_space<vmem>>
        %dma_wait3A_73 = tpu.memref_squeeze %dma_wait3A_72 : memref<1x3840xf32, #tpu.memory_space<vmem>> -> memref<3840xf32, #tpu.memory_space<vmem>>
        %dma_wait3A_74 = tpu.memref_slice %arg4[%add3A_39] : memref<122880xf32, #tpu.memory_space<hbm>> -> memref<3840xf32, #tpu.memory_space<hbm>>
        %dma_wait3A_75 = tpu.memref_slice %arg4[%add3A_39] : memref<122880xf32, #tpu.memory_space<hbm>> -> memref<3840xf32, #tpu.memory_space<hbm>>
        %dma_wait3A_76 = arith.constant 0 : i32
        %dma_wait3A_77 = tpu.memref_slice %arg6[%run_scoped3A_40, %dma_wait3A_76] : memref<8x3840xf32, #tpu.memory_space<vmem>> -> memref<1x3840xf32, #tpu.memory_space<vmem>>
        %dma_wait3A_78 = tpu.memref_squeeze %dma_wait3A_77 : memref<1x3840xf32, #tpu.memory_space<vmem>> -> memref<3840xf32, #tpu.memory_space<vmem>>
        tpu.wait_dma2 semaphore(%run_scoped3A_62 : memref<!tpu.dma_semaphore, #tpu.memory_space<semaphore_mem>>) src(%dma_wait3A_78 : memref<3840xf32, #tpu.memory_space<vmem>>) dst(%dma_wait3A_75 : memref<3840xf32, #tpu.memory_space<hbm>>)
        tpu.yield
      }) : () -> ()
      %mul3A_41 = arith.constant 40 : i32
      %mul3A_42 = arith.muli %add3A, %mul3A_41 : i32
      %mul3A_43 = arith.constant 768 : i32
      %mul3A_44 = arith.muli %mul3A_42, %mul3A_43 : i32
      %add3A_45 = arith.constant 19200 : i32
      %add3A_46 = arith.addi %mul3A_44, %add3A_45 : i32
      %run_scoped3A_47 = arith.constant 5 : i32
      "tpu.region"() ({
        %run_scoped3A_62 = tpu.sem_alloc : memref<!tpu.dma_semaphore, #tpu.memory_space<semaphore_mem>>
        %dma_start3A_63 = arith.constant 0 : i32
        %dma_start3A_64 = tpu.memref_slice %arg6[%run_scoped3A_47, %dma_start3A_63] : memref<8x3840xf32, #tpu.memory_space<vmem>> -> memref<1x3840xf32, #tpu.memory_space<vmem>>
        %dma_start3A_65 = tpu.memref_squeeze %dma_start3A_64 : memref<1x3840xf32, #tpu.memory_space<vmem>> -> memref<3840xf32, #tpu.memory_space<vmem>>
        %dma_start3A_66 = tpu.memref_slice %arg4[%add3A_46] : memref<122880xf32, #tpu.memory_space<hbm>> -> memref<3840xf32, #tpu.memory_space<hbm>>
        %dma_start3A_67 = tpu.memref_slice %arg4[%add3A_46] : memref<122880xf32, #tpu.memory_space<hbm>> -> memref<3840xf32, #tpu.memory_space<hbm>>
        %dma_start3A_68 = arith.constant 0 : i32
        %dma_start3A_69 = tpu.memref_slice %arg6[%run_scoped3A_47, %dma_start3A_68] : memref<8x3840xf32, #tpu.memory_space<vmem>> -> memref<1x3840xf32, #tpu.memory_space<vmem>>
        %dma_start3A_70 = tpu.memref_squeeze %dma_start3A_69 : memref<1x3840xf32, #tpu.memory_space<vmem>> -> memref<3840xf32, #tpu.memory_space<vmem>>
        tpu.enqueue_dma source(%dma_start3A_70 : memref<3840xf32, #tpu.memory_space<vmem>>) target(%dma_start3A_67 : memref<3840xf32, #tpu.memory_space<hbm>>) target_semaphore(%run_scoped3A_62 : memref<!tpu.dma_semaphore, #tpu.memory_space<semaphore_mem>>)
        %dma_wait3A_71 = arith.constant 0 : i32
        %dma_wait3A_72 = tpu.memref_slice %arg6[%run_scoped3A_47, %dma_wait3A_71] : memref<8x3840xf32, #tpu.memory_space<vmem>> -> memref<1x3840xf32, #tpu.memory_space<vmem>>
        %dma_wait3A_73 = tpu.memref_squeeze %dma_wait3A_72 : memref<1x3840xf32, #tpu.memory_space<vmem>> -> memref<3840xf32, #tpu.memory_space<vmem>>
        %dma_wait3A_74 = tpu.memref_slice %arg4[%add3A_46] : memref<122880xf32, #tpu.memory_space<hbm>> -> memref<3840xf32, #tpu.memory_space<hbm>>
        %dma_wait3A_75 = tpu.memref_slice %arg4[%add3A_46] : memref<122880xf32, #tpu.memory_space<hbm>> -> memref<3840xf32, #tpu.memory_space<hbm>>
        %dma_wait3A_76 = arith.constant 0 : i32
        %dma_wait3A_77 = tpu.memref_slice %arg6[%run_scoped3A_47, %dma_wait3A_76] : memref<8x3840xf32, #tpu.memory_space<vmem>> -> memref<1x3840xf32, #tpu.memory_space<vmem>>
        %dma_wait3A_78 = tpu.memref_squeeze %dma_wait3A_77 : memref<1x3840xf32, #tpu.memory_space<vmem>> -> memref<3840xf32, #tpu.memory_space<vmem>>
        tpu.wait_dma2 semaphore(%run_scoped3A_62 : memref<!tpu.dma_semaphore, #tpu.memory_space<semaphore_mem>>) src(%dma_wait3A_78 : memref<3840xf32, #tpu.memory_space<vmem>>) dst(%dma_wait3A_75 : memref<3840xf32, #tpu.memory_space<hbm>>)
        tpu.yield
      }) : () -> ()
      %mul3A_48 = arith.constant 40 : i32
      %mul3A_49 = arith.muli %add3A, %mul3A_48 : i32
      %mul3A_50 = arith.constant 768 : i32
      %mul3A_51 = arith.muli %mul3A_49, %mul3A_50 : i32
      %add3A_52 = arith.constant 23040 : i32
      %add3A_53 = arith.addi %mul3A_51, %add3A_52 : i32
      %run_scoped3A_54 = arith.constant 6 : i32
      "tpu.region"() ({
        %run_scoped3A_62 = tpu.sem_alloc : memref<!tpu.dma_semaphore, #tpu.memory_space<semaphore_mem>>
        %dma_start3A_63 = arith.constant 0 : i32
        %dma_start3A_64 = tpu.memref_slice %arg6[%run_scoped3A_54, %dma_start3A_63] : memref<8x3840xf32, #tpu.memory_space<vmem>> -> memref<1x3840xf32, #tpu.memory_space<vmem>>
        %dma_start3A_65 = tpu.memref_squeeze %dma_start3A_64 : memref<1x3840xf32, #tpu.memory_space<vmem>> -> memref<3840xf32, #tpu.memory_space<vmem>>
        %dma_start3A_66 = tpu.memref_slice %arg4[%add3A_53] : memref<122880xf32, #tpu.memory_space<hbm>> -> memref<3840xf32, #tpu.memory_space<hbm>>
        %dma_start3A_67 = tpu.memref_slice %arg4[%add3A_53] : memref<122880xf32, #tpu.memory_space<hbm>> -> memref<3840xf32, #tpu.memory_space<hbm>>
        %dma_start3A_68 = arith.constant 0 : i32
        %dma_start3A_69 = tpu.memref_slice %arg6[%run_scoped3A_54, %dma_start3A_68] : memref<8x3840xf32, #tpu.memory_space<vmem>> -> memref<1x3840xf32, #tpu.memory_space<vmem>>
        %dma_start3A_70 = tpu.memref_squeeze %dma_start3A_69 : memref<1x3840xf32, #tpu.memory_space<vmem>> -> memref<3840xf32, #tpu.memory_space<vmem>>
        tpu.enqueue_dma source(%dma_start3A_70 : memref<3840xf32, #tpu.memory_space<vmem>>) target(%dma_start3A_67 : memref<3840xf32, #tpu.memory_space<hbm>>) target_semaphore(%run_scoped3A_62 : memref<!tpu.dma_semaphore, #tpu.memory_space<semaphore_mem>>)
        %dma_wait3A_71 = arith.constant 0 : i32
        %dma_wait3A_72 = tpu.memref_slice %arg6[%run_scoped3A_54, %dma_wait3A_71] : memref<8x3840xf32, #tpu.memory_space<vmem>> -> memref<1x3840xf32, #tpu.memory_space<vmem>>
        %dma_wait3A_73 = tpu.memref_squeeze %dma_wait3A_72 : memref<1x3840xf32, #tpu.memory_space<vmem>> -> memref<3840xf32, #tpu.memory_space<vmem>>
        %dma_wait3A_74 = tpu.memref_slice %arg4[%add3A_53] : memref<122880xf32, #tpu.memory_space<hbm>> -> memref<3840xf32, #tpu.memory_space<hbm>>
        %dma_wait3A_75 = tpu.memref_slice %arg4[%add3A_53] : memref<122880xf32, #tpu.memory_space<hbm>> -> memref<3840xf32, #tpu.memory_space<hbm>>
        %dma_wait3A_76 = arith.constant 0 : i32
        %dma_wait3A_77 = tpu.memref_slice %arg6[%run_scoped3A_54, %dma_wait3A_76] : memref<8x3840xf32, #tpu.memory_space<vmem>> -> memref<1x3840xf32, #tpu.memory_space<vmem>>
        %dma_wait3A_78 = tpu.memref_squeeze %dma_wait3A_77 : memref<1x3840xf32, #tpu.memory_space<vmem>> -> memref<3840xf32, #tpu.memory_space<vmem>>
        tpu.wait_dma2 semaphore(%run_scoped3A_62 : memref<!tpu.dma_semaphore, #tpu.memory_space<semaphore_mem>>) src(%dma_wait3A_78 : memref<3840xf32, #tpu.memory_space<vmem>>) dst(%dma_wait3A_75 : memref<3840xf32, #tpu.memory_space<hbm>>)
        tpu.yield
      }) : () -> ()
      %mul3A_55 = arith.constant 40 : i32
      %mul3A_56 = arith.muli %add3A, %mul3A_55 : i32
      %mul3A_57 = arith.constant 768 : i32
      %mul3A_58 = arith.muli %mul3A_56, %mul3A_57 : i32
      %add3A_59 = arith.constant 26880 : i32
      %add3A_60 = arith.addi %mul3A_58, %add3A_59 : i32
      %run_scoped3A_61 = arith.constant 7 : i32
      "tpu.region"() ({
        %run_scoped3A_62 = tpu.sem_alloc : memref<!tpu.dma_semaphore, #tpu.memory_space<semaphore_mem>>
        %dma_start3A_63 = arith.constant 0 : i32
        %dma_start3A_64 = tpu.memref_slice %arg6[%run_scoped3A_61, %dma_start3A_63] : memref<8x3840xf32, #tpu.memory_space<vmem>> -> memref<1x3840xf32, #tpu.memory_space<vmem>>
        %dma_start3A_65 = tpu.memref_squeeze %dma_start3A_64 : memref<1x3840xf32, #tpu.memory_space<vmem>> -> memref<3840xf32, #tpu.memory_space<vmem>>
        %dma_start3A_66 = tpu.memref_slice %arg4[%add3A_60] : memref<122880xf32, #tpu.memory_space<hbm>> -> memref<3840xf32, #tpu.memory_space<hbm>>
        %dma_start3A_67 = tpu.memref_slice %arg4[%add3A_60] : memref<122880xf32, #tpu.memory_space<hbm>> -> memref<3840xf32, #tpu.memory_space<hbm>>
        %dma_start3A_68 = arith.constant 0 : i32
        %dma_start3A_69 = tpu.memref_slice %arg6[%run_scoped3A_61, %dma_start3A_68] : memref<8x3840xf32, #tpu.memory_space<vmem>> -> memref<1x3840xf32, #tpu.memory_space<vmem>>
        %dma_start3A_70 = tpu.memref_squeeze %dma_start3A_69 : memref<1x3840xf32, #tpu.memory_space<vmem>> -> memref<3840xf32, #tpu.memory_space<vmem>>
        tpu.enqueue_dma source(%dma_start3A_70 : memref<3840xf32, #tpu.memory_space<vmem>>) target(%dma_start3A_67 : memref<3840xf32, #tpu.memory_space<hbm>>) target_semaphore(%run_scoped3A_62 : memref<!tpu.dma_semaphore, #tpu.memory_space<semaphore_mem>>)
        %dma_wait3A_71 = arith.constant 0 : i32
        %dma_wait3A_72 = tpu.memref_slice %arg6[%run_scoped3A_61, %dma_wait3A_71] : memref<8x3840xf32, #tpu.memory_space<vmem>> -> memref<1x3840xf32, #tpu.memory_space<vmem>>
        %dma_wait3A_73 = tpu.memref_squeeze %dma_wait3A_72 : memref<1x3840xf32, #tpu.memory_space<vmem>> -> memref<3840xf32, #tpu.memory_space<vmem>>
        %dma_wait3A_74 = tpu.memref_slice %arg4[%add3A_60] : memref<122880xf32, #tpu.memory_space<hbm>> -> memref<3840xf32, #tpu.memory_space<hbm>>
        %dma_wait3A_75 = tpu.memref_slice %arg4[%add3A_60] : memref<122880xf32, #tpu.memory_space<hbm>> -> memref<3840xf32, #tpu.memory_space<hbm>>
        %dma_wait3A_76 = arith.constant 0 : i32
        %dma_wait3A_77 = tpu.memref_slice %arg6[%run_scoped3A_61, %dma_wait3A_76] : memref<8x3840xf32, #tpu.memory_space<vmem>> -> memref<1x3840xf32, #tpu.memory_space<vmem>>
        %dma_wait3A_78 = tpu.memref_squeeze %dma_wait3A_77 : memref<1x3840xf32, #tpu.memory_space<vmem>> -> memref<3840xf32, #tpu.memory_space<vmem>>
        tpu.wait_dma2 semaphore(%run_scoped3A_62 : memref<!tpu.dma_semaphore, #tpu.memory_space<semaphore_mem>>) src(%dma_wait3A_78 : memref<3840xf32, #tpu.memory_space<vmem>>) dst(%dma_wait3A_75 : memref<3840xf32, #tpu.memory_space<hbm>>)
        tpu.yield
      }) : () -> ()
    } else {
    }
    return
  }
}

module attributes {stable_mosaic.version = 14 : i64} {
  func.func @_routing_body(%arg0: i32, %arg1: memref<4x1024x768xf32, #tpu.memory_space<vmem>>, %arg2: memref<64x768xf32, #tpu.memory_space<vmem>>, %arg3: memref<4x2088x768xf32, #tpu.memory_space<hbm>>, %arg4: memref<4x64xf32, #tpu.memory_space<vmem>>, %arg5: memref<4x8xi32, #tpu.memory_space<vmem>>, %arg6: memref<1x1xf32, #tpu.memory_space<vmem>>, %arg7: memref<4x768xf32, #tpu.memory_space<vmem>>, %arg8: memref<!tpu.dma_semaphore, #tpu.memory_space<semaphore_mem>>) attributes {dimension_semantics = [#tpu.dimension_semantics<arbitrary>], iteration_bounds = array<i64: 2>, scalar_prefetch = 0 : i64, scratch_operands = 2 : i64, tpu.core_type = #tpu.core_type<tc>, window_params = [{transform_indices = @transform_0, window_bounds = array<i64: 4, 1024, 768>}, {pipeline_mode = #tpu.pipeline_mode<synchronous>, transform_indices = @transform_1, window_bounds = array<i64: 64, 768>}, {}, {pipeline_mode = #tpu.pipeline_mode<synchronous>, transform_indices = @transform_3, window_bounds = array<i64: 4, 64>}, {pipeline_mode = #tpu.pipeline_mode<synchronous>, transform_indices = @transform_4, window_bounds = array<i64: 4, 8>}, {pipeline_mode = #tpu.pipeline_mode<synchronous>, transform_indices = @transform_5, window_bounds = array<i64: 1, 1>}]} {
    %get3A = arith.constant 0 : index
    %get3A_0 = arith.constant 0 : index
    %get3A_1 = arith.constant 0 : index
    %get3A_2 = vector.load %arg1[%get3A, %get3A_0, %get3A_1] : memref<4x1024x768xf32, #tpu.memory_space<vmem>>, vector<4x1024x768xf32>
    %reduce_sum3A = arith.constant dense<0.000000e+00> : vector<4x768xf32>
    %reduce_sum3A_3 = vector.multi_reduction <add>, %get3A_2, %reduce_sum3A [1] : vector<4x1024x768xf32> to vector<4x768xf32>
    %eq3A = arith.constant 0 : i32
    %eq3A_4 = arith.cmpi eq, %arg0, %eq3A : i32
    %convert_element_type3A = arith.extui %eq3A_4 : i1 to i32
    %cond3A = arith.constant 0 : i32
    %cond3A_5 = arith.cmpi ne, %convert_element_type3A, %cond3A : i32
    scf.if %cond3A_5 {
      %swap3A = arith.constant 0 : index
      %swap3A_21 = arith.constant 0 : index
      %swap3A_22 = vector.load %arg7[%swap3A, %swap3A_21] : memref<4x768xf32, #tpu.memory_space<vmem>>, vector<4x768xf32>
      tpu.vector_store %arg7[%swap3A, %swap3A_21], %reduce_sum3A_3 {strides = array<i32>} : memref<4x768xf32, #tpu.memory_space<vmem>>, vector<4x768xf32>,
    } else {
    }
    %gt3A = arith.constant 0 : i32
    %gt3A_6 = arith.cmpi sgt, %arg0, %gt3A : i32
    %convert_element_type3A_7 = arith.extui %gt3A_6 : i1 to i32
    %cond3A_8 = arith.constant 0 : i32
    %cond3A_9 = arith.cmpi ne, %convert_element_type3A_7, %cond3A_8 : i32
    scf.if %cond3A_9 {
      %get3A_21 = arith.constant 0 : index
      %get3A_22 = arith.constant 0 : index
      %get3A_23 = vector.load %arg7[%get3A_21, %get3A_22] : memref<4x768xf32, #tpu.memory_space<vmem>>, vector<4x768xf32>
      %add3A_24 = arith.addf %get3A_23, %reduce_sum3A_3 : vector<4x768xf32>
      %swap3A = arith.constant 0 : index
      %swap3A_25 = arith.constant 0 : index
      %swap3A_26 = vector.load %arg7[%swap3A, %swap3A_25] : memref<4x768xf32, #tpu.memory_space<vmem>>, vector<4x768xf32>
      tpu.vector_store %arg7[%swap3A, %swap3A_25], %add3A_24 {strides = array<i32>} : memref<4x768xf32, #tpu.memory_space<vmem>>, vector<4x768xf32>,
    } else {
    }
    %mul3A = arith.constant 1024 : i32
    %mul3A_10 = arith.muli %arg0, %mul3A : i32
    %add3A = arith.constant 40 : i32
    %add3A_11 = arith.addi %add3A, %mul3A_10 : i32
    %dma_start3A = arith.constant 0 : i32
    %dma_start3A_12 = arith.constant 0 : i32
    %dma_start3A_13 = tpu.memref_slice %arg3[%dma_start3A, %add3A_11, %dma_start3A_12] : memref<4x2088x768xf32, #tpu.memory_space<hbm>> -> memref<4x1024x768xf32, #tpu.memory_space<hbm>>
    tpu.enqueue_dma source(%arg1 : memref<4x1024x768xf32, #tpu.memory_space<vmem>>) target(%dma_start3A_13 : memref<4x1024x768xf32, #tpu.memory_space<hbm>>) target_semaphore(%arg8 : memref<!tpu.dma_semaphore, #tpu.memory_space<semaphore_mem>>)
    %eq3A_14 = arith.constant 1 : i32
    %eq3A_15 = arith.cmpi eq, %arg0, %eq3A_14 : i32
    %convert_element_type3A_16 = arith.extui %eq3A_15 : i1 to i32
    %cond3A_17 = arith.constant 0 : i32
    %cond3A_18 = arith.cmpi ne, %convert_element_type3A_16, %cond3A_17 : i32
    scf.if %cond3A_18 {
      %get3A_21 = arith.constant 0 : index
      %get3A_22 = arith.constant 0 : index
      %get3A_23 = vector.load %arg7[%get3A_21, %get3A_22] : memref<4x768xf32, #tpu.memory_space<vmem>>, vector<4x768xf32>
      %mul3A_24 = arith.constant 4.8828125E-4 : f32
      %mul3A_25 = vector.broadcast %mul3A_24 : f32 to vector<4x768xf32>
      %mul3A_26 = arith.mulf %get3A_23, %mul3A_25 : vector<4x768xf32>
      %mul3A_27 = arith.mulf %mul3A_26, %mul3A_26 : vector<4x768xf32>
      %reduce_sum3A_28 = arith.constant dense<0.000000e+00> : vector<4xf32>
      %reduce_sum3A_29 = vector.multi_reduction <add>, %mul3A_27, %reduce_sum3A_28 [1] : vector<4x768xf32> to vector<4xf32>
      %broadcast_in_dim3A = vector.shape_cast %reduce_sum3A_29 : vector<4xf32> to vector<4x1xf32>
      %max3A = arith.constant 9.99999996E-13 : f32
      %max3A_30 = vector.broadcast %max3A : f32 to vector<4x1xf32>
      %max3A_31 = arith.maximumf %broadcast_in_dim3A, %max3A_30 : vector<4x1xf32>
      %rsqrt3A = math.rsqrt %max3A_31 : vector<4x1xf32>
      %mul3A_32 = vector.broadcast %rsqrt3A : vector<4x1xf32> to vector<4x768xf32>
      %mul3A_33 = arith.mulf %mul3A_26, %mul3A_32 : vector<4x768xf32>
      %get3A_34 = arith.constant 0 : index
      %get3A_35 = arith.constant 0 : index
      %get3A_36 = vector.load %arg2[%get3A_34, %get3A_35] : memref<64x768xf32, #tpu.memory_space<vmem>>, vector<64x768xf32>
      %mul3A_37 = arith.mulf %get3A_36, %get3A_36 : vector<64x768xf32>
      %reduce_sum3A_38 = arith.constant dense<0.000000e+00> : vector<64xf32>
      %reduce_sum3A_39 = vector.multi_reduction <add>, %mul3A_37, %reduce_sum3A_38 [1] : vector<64x768xf32> to vector<64xf32>
      %broadcast_in_dim3A_40 = vector.shape_cast %reduce_sum3A_39 : vector<64xf32> to vector<64x1xf32>
      %max3A_41 = arith.constant 9.99999996E-13 : f32
      %max3A_42 = vector.broadcast %max3A_41 : f32 to vector<64x1xf32>
      %max3A_43 = arith.maximumf %broadcast_in_dim3A_40, %max3A_42 : vector<64x1xf32>
      %rsqrt3A_44 = math.rsqrt %max3A_43 : vector<64x1xf32>
      %mul3A_45 = vector.broadcast %rsqrt3A_44 : vector<64x1xf32> to vector<64x768xf32>
      %mul3A_46 = arith.mulf %get3A_36, %mul3A_45 : vector<64x768xf32>
      %dot_general3A = arith.constant dense<0.000000e+00> : vector<4x64xf32>
      %dot_general3A_47 = tpu.matmul %mul3A_33, %mul3A_46, %dot_general3A {dimension_numbers = #tpu.dot_dimension_numbers<[1], [1], [0], [0], [0, 0, 1, 0], [], []>, transpose_lhs_hint = false} : vector<4x768xf32>, vector<64x768xf32>, vector<4x64xf32> -> vector<4x64xf32>
      %swap3A = arith.constant 0 : index
      %swap3A_48 = arith.constant 0 : index
      %swap3A_49 = vector.load %arg4[%swap3A, %swap3A_48] : memref<4x64xf32, #tpu.memory_space<vmem>>, vector<4x64xf32>
      tpu.vector_store %arg4[%swap3A, %swap3A_48], %dot_general3A_47 {strides = array<i32>} : memref<4x64xf32, #tpu.memory_space<vmem>>, vector<4x64xf32>,
      %iota3A = tpu.iota {dimensions = array<i32: 1>} : vector<4x64xi32>
      %reduce_max3A = arith.constant dense<0xFF800000> : vector<4xf32>
      %reduce_max3A_50 = vector.multi_reduction <maximumf>, %dot_general3A_47, %reduce_max3A [1] : vector<4x64xf32> to vector<4xf32>
      %broadcast_in_dim3A_51 = vector.shape_cast %reduce_max3A_50 : vector<4xf32> to vector<4x1xf32>
      %eq3A_52 = vector.broadcast %broadcast_in_dim3A_51 : vector<4x1xf32> to vector<4x64xf32>
      %eq3A_53 = arith.cmpf oeq, %dot_general3A_47, %eq3A_52 : vector<4x64xf32>
      %jit3A = arith.constant 64 : i32
      %broadcast_in_dim3A_54 = vector.broadcast %jit3A : i32 to vector<4x64xi32>
      %select_n3A = arith.select %eq3A_53, %iota3A, %broadcast_in_dim3A_54 : vector<4x64xi1>, vector<4x64xi32>
      %reduce_min3A = arith.constant dense<2147483647> : vector<4xi32>
      %reduce_min3A_55 = vector.multi_reduction <minsi>, %select_n3A, %reduce_min3A [1] : vector<4x64xi32> to vector<4xi32>
      %broadcast_in_dim3A_56 = vector.shape_cast %reduce_min3A_55 : vector<4xi32> to vector<4x1xi32>
      %reduce_sum3A_57 = vector.shape_cast %broadcast_in_dim3A_51 : vector<4x1xf32> to vector<1x4x1xf32>
      %reduce_sum3A_58 = arith.constant dense<0.000000e+00> : vector<1xf32>
      %reduce_sum3A_59 = vector.multi_reduction <add>, %reduce_sum3A_57, %reduce_sum3A_58 [1, 2] : vector<1x4x1xf32> to vector<1xf32>
      %reduce_sum3A_60 = vector.shape_cast %reduce_sum3A_59 : vector<1xf32> to vector<1x1x1xf32>
      %reduce_sum3A_61 = vector.extract %reduce_sum3A_60[0, 0, 0] : f32 from vector<1x1x1xf32>
      %add3A_62 = arith.constant 0.000000e+00 : f32
      %add3A_63 = arith.addf %add3A_62, %reduce_sum3A_61 : f32
      %eq3A_64 = vector.broadcast %broadcast_in_dim3A_56 : vector<4x1xi32> to vector<4x64xi32>
      %eq3A_65 = arith.cmpi eq, %iota3A, %eq3A_64 : vector<4x64xi32>
      %jit3A_66 = arith.constant 0xFF800000 : f32
      %broadcast_in_dim3A_67 = vector.broadcast %jit3A_66 : f32 to vector<4x64xf32>
      %select_n3A_68 = arith.select %eq3A_65, %broadcast_in_dim3A_67, %dot_general3A_47 : vector<4x64xi1>, vector<4x64xf32>
      %reduce_max3A_69 = arith.constant dense<0xFF800000> : vector<4xf32>
      %reduce_max3A_70 = vector.multi_reduction <maximumf>, %select_n3A_68, %reduce_max3A_69 [1] : vector<4x64xf32> to vector<4xf32>
      %broadcast_in_dim3A_71 = vector.shape_cast %reduce_max3A_70 : vector<4xf32> to vector<4x1xf32>
      %eq3A_72 = vector.broadcast %broadcast_in_dim3A_71 : vector<4x1xf32> to vector<4x64xf32>
      %eq3A_73 = arith.cmpf oeq, %select_n3A_68, %eq3A_72 : vector<4x64xf32>
      %jit3A_74 = arith.constant 64 : i32
      %broadcast_in_dim3A_75 = vector.broadcast %jit3A_74 : i32 to vector<4x64xi32>
      %select_n3A_76 = arith.select %eq3A_73, %iota3A, %broadcast_in_dim3A_75 : vector<4x64xi1>, vector<4x64xi32>
      %reduce_min3A_77 = arith.constant dense<2147483647> : vector<4xi32>
      %reduce_min3A_78 = vector.multi_reduction <minsi>, %select_n3A_76, %reduce_min3A_77 [1] : vector<4x64xi32> to vector<4xi32>
      %broadcast_in_dim3A_79 = vector.shape_cast %reduce_min3A_78 : vector<4xi32> to vector<4x1xi32>
      %reduce_sum3A_80 = vector.shape_cast %broadcast_in_dim3A_71 : vector<4x1xf32> to vector<1x4x1xf32>
      %reduce_sum3A_81 = arith.constant dense<0.000000e+00> : vector<1xf32>
      %reduce_sum3A_82 = vector.multi_reduction <add>, %reduce_sum3A_80, %reduce_sum3A_81 [1, 2] : vector<1x4x1xf32> to vector<1xf32>
      %reduce_sum3A_83 = vector.shape_cast %reduce_sum3A_82 : vector<1xf32> to vector<1x1x1xf32>
      %reduce_sum3A_84 = vector.extract %reduce_sum3A_83[0, 0, 0] : f32 from vector<1x1x1xf32>
      %add3A_85 = arith.addf %add3A_63, %reduce_sum3A_84 : f32
      %eq3A_86 = vector.broadcast %broadcast_in_dim3A_79 : vector<4x1xi32> to vector<4x64xi32>
      %eq3A_87 = arith.cmpi eq, %iota3A, %eq3A_86 : vector<4x64xi32>
      %jit3A_88 = arith.constant 0xFF800000 : f32
      %broadcast_in_dim3A_89 = vector.broadcast %jit3A_88 : f32 to vector<4x64xf32>
      %select_n3A_90 = arith.select %eq3A_87, %broadcast_in_dim3A_89, %select_n3A_68 : vector<4x64xi1>, vector<4x64xf32>
      %reduce_max3A_91 = arith.constant dense<0xFF800000> : vector<4xf32>
      %reduce_max3A_92 = vector.multi_reduction <maximumf>, %select_n3A_90, %reduce_max3A_91 [1] : vector<4x64xf32> to vector<4xf32>
      %broadcast_in_dim3A_93 = vector.shape_cast %reduce_max3A_92 : vector<4xf32> to vector<4x1xf32>
      %eq3A_94 = vector.broadcast %broadcast_in_dim3A_93 : vector<4x1xf32> to vector<4x64xf32>
      %eq3A_95 = arith.cmpf oeq, %select_n3A_90, %eq3A_94 : vector<4x64xf32>
      %jit3A_96 = arith.constant 64 : i32
      %broadcast_in_dim3A_97 = vector.broadcast %jit3A_96 : i32 to vector<4x64xi32>
      %select_n3A_98 = arith.select %eq3A_95, %iota3A, %broadcast_in_dim3A_97 : vector<4x64xi1>, vector<4x64xi32>
      %reduce_min3A_99 = arith.constant dense<2147483647> : vector<4xi32>
      %reduce_min3A_100 = vector.multi_reduction <minsi>, %select_n3A_98, %reduce_min3A_99 [1] : vector<4x64xi32> to vector<4xi32>
      %broadcast_in_dim3A_101 = vector.shape_cast %reduce_min3A_100 : vector<4xi32> to vector<4x1xi32>
      %reduce_sum3A_102 = vector.shape_cast %broadcast_in_dim3A_93 : vector<4x1xf32> to vector<1x4x1xf32>
      %reduce_sum3A_103 = arith.constant dense<0.000000e+00> : vector<1xf32>
      %reduce_sum3A_104 = vector.multi_reduction <add>, %reduce_sum3A_102, %reduce_sum3A_103 [1, 2] : vector<1x4x1xf32> to vector<1xf32>
      %reduce_sum3A_105 = vector.shape_cast %reduce_sum3A_104 : vector<1xf32> to vector<1x1x1xf32>
      %reduce_sum3A_106 = vector.extract %reduce_sum3A_105[0, 0, 0] : f32 from vector<1x1x1xf32>
      %add3A_107 = arith.addf %add3A_85, %reduce_sum3A_106 : f32
      %eq3A_108 = vector.broadcast %broadcast_in_dim3A_101 : vector<4x1xi32> to vector<4x64xi32>
      %eq3A_109 = arith.cmpi eq, %iota3A, %eq3A_108 : vector<4x64xi32>
      %jit3A_110 = arith.constant 0xFF800000 : f32
      %broadcast_in_dim3A_111 = vector.broadcast %jit3A_110 : f32 to vector<4x64xf32>
      %select_n3A_112 = arith.select %eq3A_109, %broadcast_in_dim3A_111, %select_n3A_90 : vector<4x64xi1>, vector<4x64xf32>
      %reduce_max3A_113 = arith.constant dense<0xFF800000> : vector<4xf32>
      %reduce_max3A_114 = vector.multi_reduction <maximumf>, %select_n3A_112, %reduce_max3A_113 [1] : vector<4x64xf32> to vector<4xf32>
      %broadcast_in_dim3A_115 = vector.shape_cast %reduce_max3A_114 : vector<4xf32> to vector<4x1xf32>
      %eq3A_116 = vector.broadcast %broadcast_in_dim3A_115 : vector<4x1xf32> to vector<4x64xf32>
      %eq3A_117 = arith.cmpf oeq, %select_n3A_112, %eq3A_116 : vector<4x64xf32>
      %jit3A_118 = arith.constant 64 : i32
      %broadcast_in_dim3A_119 = vector.broadcast %jit3A_118 : i32 to vector<4x64xi32>
      %select_n3A_120 = arith.select %eq3A_117, %iota3A, %broadcast_in_dim3A_119 : vector<4x64xi1>, vector<4x64xi32>
      %reduce_min3A_121 = arith.constant dense<2147483647> : vector<4xi32>
      %reduce_min3A_122 = vector.multi_reduction <minsi>, %select_n3A_120, %reduce_min3A_121 [1] : vector<4x64xi32> to vector<4xi32>
      %broadcast_in_dim3A_123 = vector.shape_cast %reduce_min3A_122 : vector<4xi32> to vector<4x1xi32>
      %reduce_sum3A_124 = vector.shape_cast %broadcast_in_dim3A_115 : vector<4x1xf32> to vector<1x4x1xf32>
      %reduce_sum3A_125 = arith.constant dense<0.000000e+00> : vector<1xf32>
      %reduce_sum3A_126 = vector.multi_reduction <add>, %reduce_sum3A_124, %reduce_sum3A_125 [1, 2] : vector<1x4x1xf32> to vector<1xf32>
      %reduce_sum3A_127 = vector.shape_cast %reduce_sum3A_126 : vector<1xf32> to vector<1x1x1xf32>
      %reduce_sum3A_128 = vector.extract %reduce_sum3A_127[0, 0, 0] : f32 from vector<1x1x1xf32>
      %add3A_129 = arith.addf %add3A_107, %reduce_sum3A_128 : f32
      %eq3A_130 = vector.broadcast %broadcast_in_dim3A_123 : vector<4x1xi32> to vector<4x64xi32>
      %eq3A_131 = arith.cmpi eq, %iota3A, %eq3A_130 : vector<4x64xi32>
      %jit3A_132 = arith.constant 0xFF800000 : f32
      %broadcast_in_dim3A_133 = vector.broadcast %jit3A_132 : f32 to vector<4x64xf32>
      %select_n3A_134 = arith.select %eq3A_131, %broadcast_in_dim3A_133, %select_n3A_112 : vector<4x64xi1>, vector<4x64xf32>
      %reduce_max3A_135 = arith.constant dense<0xFF800000> : vector<4xf32>
      %reduce_max3A_136 = vector.multi_reduction <maximumf>, %select_n3A_134, %reduce_max3A_135 [1] : vector<4x64xf32> to vector<4xf32>
      %broadcast_in_dim3A_137 = vector.shape_cast %reduce_max3A_136 : vector<4xf32> to vector<4x1xf32>
      %eq3A_138 = vector.broadcast %broadcast_in_dim3A_137 : vector<4x1xf32> to vector<4x64xf32>
      %eq3A_139 = arith.cmpf oeq, %select_n3A_134, %eq3A_138 : vector<4x64xf32>
      %jit3A_140 = arith.constant 64 : i32
      %broadcast_in_dim3A_141 = vector.broadcast %jit3A_140 : i32 to vector<4x64xi32>
      %select_n3A_142 = arith.select %eq3A_139, %iota3A, %broadcast_in_dim3A_141 : vector<4x64xi1>, vector<4x64xi32>
      %reduce_min3A_143 = arith.constant dense<2147483647> : vector<4xi32>
      %reduce_min3A_144 = vector.multi_reduction <minsi>, %select_n3A_142, %reduce_min3A_143 [1] : vector<4x64xi32> to vector<4xi32>
      %broadcast_in_dim3A_145 = vector.shape_cast %reduce_min3A_144 : vector<4xi32> to vector<4x1xi32>
      %reduce_sum3A_146 = vector.shape_cast %broadcast_in_dim3A_137 : vector<4x1xf32> to vector<1x4x1xf32>
      %reduce_sum3A_147 = arith.constant dense<0.000000e+00> : vector<1xf32>
      %reduce_sum3A_148 = vector.multi_reduction <add>, %reduce_sum3A_146, %reduce_sum3A_147 [1, 2] : vector<1x4x1xf32> to vector<1xf32>
      %reduce_sum3A_149 = vector.shape_cast %reduce_sum3A_148 : vector<1xf32> to vector<1x1x1xf32>
      %reduce_sum3A_150 = vector.extract %reduce_sum3A_149[0, 0, 0] : f32 from vector<1x1x1xf32>
      %add3A_151 = arith.addf %add3A_129, %reduce_sum3A_150 : f32
      %eq3A_152 = vector.broadcast %broadcast_in_dim3A_145 : vector<4x1xi32> to vector<4x64xi32>
      %eq3A_153 = arith.cmpi eq, %iota3A, %eq3A_152 : vector<4x64xi32>
      %jit3A_154 = arith.constant 0xFF800000 : f32
      %broadcast_in_dim3A_155 = vector.broadcast %jit3A_154 : f32 to vector<4x64xf32>
      %select_n3A_156 = arith.select %eq3A_153, %broadcast_in_dim3A_155, %select_n3A_134 : vector<4x64xi1>, vector<4x64xf32>
      %reduce_max3A_157 = arith.constant dense<0xFF800000> : vector<4xf32>
      %reduce_max3A_158 = vector.multi_reduction <maximumf>, %select_n3A_156, %reduce_max3A_157 [1] : vector<4x64xf32> to vector<4xf32>
      %broadcast_in_dim3A_159 = vector.shape_cast %reduce_max3A_158 : vector<4xf32> to vector<4x1xf32>
      %eq3A_160 = vector.broadcast %broadcast_in_dim3A_159 : vector<4x1xf32> to vector<4x64xf32>
      %eq3A_161 = arith.cmpf oeq, %select_n3A_156, %eq3A_160 : vector<4x64xf32>
      %jit3A_162 = arith.constant 64 : i32
      %broadcast_in_dim3A_163 = vector.broadcast %jit3A_162 : i32 to vector<4x64xi32>
      %select_n3A_164 = arith.select %eq3A_161, %iota3A, %broadcast_in_dim3A_163 : vector<4x64xi1>, vector<4x64xi32>
      %reduce_min3A_165 = arith.constant dense<2147483647> : vector<4xi32>
      %reduce_min3A_166 = vector.multi_reduction <minsi>, %select_n3A_164, %reduce_min3A_165 [1] : vector<4x64xi32> to vector<4xi32>
      %broadcast_in_dim3A_167 = vector.shape_cast %reduce_min3A_166 : vector<4xi32> to vector<4x1xi32>
      %reduce_sum3A_168 = vector.shape_cast %broadcast_in_dim3A_159 : vector<4x1xf32> to vector<1x4x1xf32>
      %reduce_sum3A_169 = arith.constant dense<0.000000e+00> : vector<1xf32>
      %reduce_sum3A_170 = vector.multi_reduction <add>, %reduce_sum3A_168, %reduce_sum3A_169 [1, 2] : vector<1x4x1xf32> to vector<1xf32>
      %reduce_sum3A_171 = vector.shape_cast %reduce_sum3A_170 : vector<1xf32> to vector<1x1x1xf32>
      %reduce_sum3A_172 = vector.extract %reduce_sum3A_171[0, 0, 0] : f32 from vector<1x1x1xf32>
      %add3A_173 = arith.addf %add3A_151, %reduce_sum3A_172 : f32
      %eq3A_174 = vector.broadcast %broadcast_in_dim3A_167 : vector<4x1xi32> to vector<4x64xi32>
      %eq3A_175 = arith.cmpi eq, %iota3A, %eq3A_174 : vector<4x64xi32>
      %jit3A_176 = arith.constant 0xFF800000 : f32
      %broadcast_in_dim3A_177 = vector.broadcast %jit3A_176 : f32 to vector<4x64xf32>
      %select_n3A_178 = arith.select %eq3A_175, %broadcast_in_dim3A_177, %select_n3A_156 : vector<4x64xi1>, vector<4x64xf32>
      %reduce_max3A_179 = arith.constant dense<0xFF800000> : vector<4xf32>
      %reduce_max3A_180 = vector.multi_reduction <maximumf>, %select_n3A_178, %reduce_max3A_179 [1] : vector<4x64xf32> to vector<4xf32>
      %broadcast_in_dim3A_181 = vector.shape_cast %reduce_max3A_180 : vector<4xf32> to vector<4x1xf32>
      %eq3A_182 = vector.broadcast %broadcast_in_dim3A_181 : vector<4x1xf32> to vector<4x64xf32>
      %eq3A_183 = arith.cmpf oeq, %select_n3A_178, %eq3A_182 : vector<4x64xf32>
      %jit3A_184 = arith.constant 64 : i32
      %broadcast_in_dim3A_185 = vector.broadcast %jit3A_184 : i32 to vector<4x64xi32>
      %select_n3A_186 = arith.select %eq3A_183, %iota3A, %broadcast_in_dim3A_185 : vector<4x64xi1>, vector<4x64xi32>
      %reduce_min3A_187 = arith.constant dense<2147483647> : vector<4xi32>
      %reduce_min3A_188 = vector.multi_reduction <minsi>, %select_n3A_186, %reduce_min3A_187 [1] : vector<4x64xi32> to vector<4xi32>
      %broadcast_in_dim3A_189 = vector.shape_cast %reduce_min3A_188 : vector<4xi32> to vector<4x1xi32>
      %reduce_sum3A_190 = vector.shape_cast %broadcast_in_dim3A_181 : vector<4x1xf32> to vector<1x4x1xf32>
      %reduce_sum3A_191 = arith.constant dense<0.000000e+00> : vector<1xf32>
      %reduce_sum3A_192 = vector.multi_reduction <add>, %reduce_sum3A_190, %reduce_sum3A_191 [1, 2] : vector<1x4x1xf32> to vector<1xf32>
      %reduce_sum3A_193 = vector.shape_cast %reduce_sum3A_192 : vector<1xf32> to vector<1x1x1xf32>
      %reduce_sum3A_194 = vector.extract %reduce_sum3A_193[0, 0, 0] : f32 from vector<1x1x1xf32>
      %add3A_195 = arith.addf %add3A_173, %reduce_sum3A_194 : f32
      %eq3A_196 = vector.broadcast %broadcast_in_dim3A_189 : vector<4x1xi32> to vector<4x64xi32>
      %eq3A_197 = arith.cmpi eq, %iota3A, %eq3A_196 : vector<4x64xi32>
      %jit3A_198 = arith.constant 0xFF800000 : f32
      %broadcast_in_dim3A_199 = vector.broadcast %jit3A_198 : f32 to vector<4x64xf32>
      %select_n3A_200 = arith.select %eq3A_197, %broadcast_in_dim3A_199, %select_n3A_178 : vector<4x64xi1>, vector<4x64xf32>
      %reduce_max3A_201 = arith.constant dense<0xFF800000> : vector<4xf32>
      %reduce_max3A_202 = vector.multi_reduction <maximumf>, %select_n3A_200, %reduce_max3A_201 [1] : vector<4x64xf32> to vector<4xf32>
      %broadcast_in_dim3A_203 = vector.shape_cast %reduce_max3A_202 : vector<4xf32> to vector<4x1xf32>
      %eq3A_204 = vector.broadcast %broadcast_in_dim3A_203 : vector<4x1xf32> to vector<4x64xf32>
      %eq3A_205 = arith.cmpf oeq, %select_n3A_200, %eq3A_204 : vector<4x64xf32>
      %jit3A_206 = arith.constant 64 : i32
      %broadcast_in_dim3A_207 = vector.broadcast %jit3A_206 : i32 to vector<4x64xi32>
      %select_n3A_208 = arith.select %eq3A_205, %iota3A, %broadcast_in_dim3A_207 : vector<4x64xi1>, vector<4x64xi32>
      %reduce_min3A_209 = arith.constant dense<2147483647> : vector<4xi32>
      %reduce_min3A_210 = vector.multi_reduction <minsi>, %select_n3A_208, %reduce_min3A_209 [1] : vector<4x64xi32> to vector<4xi32>
      %broadcast_in_dim3A_211 = vector.shape_cast %reduce_min3A_210 : vector<4xi32> to vector<4x1xi32>
      %reduce_sum3A_212 = vector.shape_cast %broadcast_in_dim3A_203 : vector<4x1xf32> to vector<1x4x1xf32>
      %reduce_sum3A_213 = arith.constant dense<0.000000e+00> : vector<1xf32>
      %reduce_sum3A_214 = vector.multi_reduction <add>, %reduce_sum3A_212, %reduce_sum3A_213 [1, 2] : vector<1x4x1xf32> to vector<1xf32>
      %reduce_sum3A_215 = vector.shape_cast %reduce_sum3A_214 : vector<1xf32> to vector<1x1x1xf32>
      %reduce_sum3A_216 = vector.extract %reduce_sum3A_215[0, 0, 0] : f32 from vector<1x1x1xf32>
      %add3A_217 = arith.addf %add3A_195, %reduce_sum3A_216 : f32
      %concatenate3A = tpu.concatenate %broadcast_in_dim3A_56, %broadcast_in_dim3A_79, %broadcast_in_dim3A_101, %broadcast_in_dim3A_123, %broadcast_in_dim3A_145, %broadcast_in_dim3A_167, %broadcast_in_dim3A_189, %broadcast_in_dim3A_211 in 1 : vector<4x1xi32>, vector<4x1xi32>, vector<4x1xi32>, vector<4x1xi32>, vector<4x1xi32>, vector<4x1xi32>, vector<4x1xi32>, vector<4x1xi32> -> vector<4x8xi32>
      %swap3A_218 = arith.constant 0 : index
      %swap3A_219 = arith.constant 0 : index
      %swap3A_220 = vector.load %arg5[%swap3A_218, %swap3A_219] : memref<4x8xi32, #tpu.memory_space<vmem>>, vector<4x8xi32>
      tpu.vector_store %arg5[%swap3A_218, %swap3A_219], %concatenate3A {strides = array<i32>} : memref<4x8xi32, #tpu.memory_space<vmem>>, vector<4x8xi32>,
      %mul3A_221 = arith.constant 2.500000e-01 : f32
      %mul3A_222 = arith.mulf %add3A_217, %mul3A_221 : f32
      %reshape3A = vector.broadcast %mul3A_222 : f32 to vector<1x1xf32>
      %swap3A_223 = arith.constant 0 : index
      %swap3A_224 = arith.constant 0 : index
      %swap3A_225 = vector.load %arg6[%swap3A_223, %swap3A_224] : memref<1x1xf32, #tpu.memory_space<vmem>>, vector<1x1xf32>
      tpu.vector_store %arg6[%swap3A_223, %swap3A_224], %reshape3A {strides = array<i32>} : memref<1x1xf32, #tpu.memory_space<vmem>>, vector<1x1xf32>,
    } else {
    }
    %dma_wait3A = arith.constant 0 : i32
    %dma_wait3A_19 = arith.constant 0 : i32
    %dma_wait3A_20 = tpu.memref_slice %arg3[%dma_wait3A, %add3A_11, %dma_wait3A_19] : memref<4x2088x768xf32, #tpu.memory_space<hbm>> -> memref<4x1024x768xf32, #tpu.memory_space<hbm>>
    tpu.wait_dma2 semaphore(%arg8 : memref<!tpu.dma_semaphore, #tpu.memory_space<semaphore_mem>>) src(%arg1 : memref<4x1024x768xf32, #tpu.memory_space<vmem>>) dst(%dma_wait3A_20 : memref<4x1024x768xf32, #tpu.memory_space<hbm>>)
    return
  }
  func.func @transform_0(%arg0: i32) -> (i32, i32, i32) {
    %c0_i32 = arith.constant 0 : i32
    %c0_i32_0 = arith.constant 0 : i32
    %c0_i32_1 = arith.constant 0 : i32
    return %c0_i32, %arg0, %c0_i32_0 : i32, i32, i32
  }
  func.func @transform_1(%arg0: i32) -> (i32, i32) {
    %c0_i32 = arith.constant 0 : i32
    %c0_i32_0 = arith.constant 0 : i32
    %c0_i32_1 = arith.constant 0 : i32
    return %c0_i32, %c0_i32_0 : i32, i32
  }
  func.func @transform_3(%arg0: i32) -> (i32, i32) {
    %c0_i32 = arith.constant 0 : i32
    %c0_i32_0 = arith.constant 0 : i32
    %c0_i32_1 = arith.constant 0 : i32
    return %c0_i32, %c0_i32_0 : i32, i32
  }
  func.func @transform_4(%arg0: i32) -> (i32, i32) {
    %c0_i32 = arith.constant 0 : i32
    %c0_i32_0 = arith.constant 0 : i32
    %c0_i32_1 = arith.constant 0 : i32
    return %c0_i32, %c0_i32_0 : i32, i32
  }
  func.func @transform_5(%arg0: i32) -> (i32, i32) {
    %c0_i32 = arith.constant 0 : i32
    %c0_i32_0 = arith.constant 0 : i32
    %c0_i32_1 = arith.constant 0 : i32
    return %c0_i32, %c0_i32_0 : i32, i32
  }
}

</mosaic_0001>

<sc_bundles>
// kernel: kernel.4.cloned.1.call-start
scs
__scs_entry_jumppad:
0x0: {  	(pc) =	sbr.rel $0x88, $3  }
0x1: {  	(tag) =	ssettag $0x0;
	lr =	simm.s32 $0x1  }
0x2: {  	[smem:$0x3F9E] =	sst lr;
	_ =	strace $0xD0000000  }
0x3: {  	_ = 	snop  }
0x4: {  	_ = 	snop  }
0x5: {  	_ = 	snop  }
0x6: {  	_ = 	snop  }
0x7: {  	_ = 	snop  }
__scs_overlays_trampoline_lowered:
0x8: {  	[smem:$0x3FAD] =	sst s0  }
0x9: {  	[smem:$0x3FAE] =	sst s1  }
0xa: {  	[smem:$0x3FAF] =	sst s2  }
0xb: {  	[smem:$0x3FB0] =	sst s3  }
0xc: {  	[smem:$0x3FB1] =	sst s4  }
0xd: {  	[smem:$0x3FB2] =	sst s5  }
0xe: {  	[smem:$0x3FB3] =	sst s6  }
0xf: {  	[smem:$0x3FB4] =	sst s7  }
0x10: {  	[smem:$0x3FB5] =	sst s8  }
0x11: {  	[smem:$0x3FB6] =	sst s9;
	s0 =	simm.s32 @!p0 $0x0  }
0x12: {  	s1 =	sld [smem:$0x3F9C];
	s0 =	simm.s32 @p0 $0x1  }
0x13: {  	[smem:$0x3FB7] =	sst s0;
	s0 =	simm.s32 @!p1 $0x0  }
0x14: {  	s2 =	sld [smem:$0x3F9B];
	s0 =	simm.s32 @p1 $0x1  }
0x15: {  	[smem:$0x3FB8] =	sst s0;
	s0 =	simm.s32 @!p2 $0x0  }
0x16: {  	s3 =	sld [smem:$0x3FDB];
	s0 =	simm.s32 @p2 $0x1  }
0x17: {  	s4 =	simm.s32 $0x1BF5;
	[smem:$0x3FBA] =	sst s0  }
0x18: {  	s0 =	sld [smem:$0x3F9D];
	_ =	swait.ge [sflag:s4], $0x0  }
0x19: {  	s7 =	sld [smem:$0x3F9E]  }
0x1a: {  	s8 =	sadd.s32 $0xFFFFE003, lr  }
0x1b: {  	s9 =	sadd.s32 $0xFFFFFEF7, lr;
	s5 =	simm.s32 $0xFFFFFFFF;
	p2 =	slt.u32 s8, $0xFFFFF086  }
0x1c: {  	p1 =	slt.u32 s9, $0xF7A;
	s5 =	simm.s32 @!p2 $0x0  }
0x1d: {  	s5 =	simm.s32 @p1 $0x1;
	p0 =	seq.s32 s7, s2  }
0x1e: {  	s7 =	smul.u32 @!p0 $0xF7A, s2;
	p2 =	seq.s32 @!p0 s5, $0x0  }
0x1f: {  	s9 =	smul.u32 $0xF7A, s1;
	s8 =	simm.s32 @!p0 $0x1BF5;
	p2 =	por !p2, p0  }
0x20: {  	[sflag:s8] =	ssyncset.s32 @!p0 $0xFFFFF086;
	s6 =	sadd.s32 @!p0 s3, s7;
	s7 =	simm.s32 @!p0 $0x108  }
0x21: {  	s3 =	sadd.s32 s3, s9;
	s6 =	sadd.s32 @!p0 $0x88, s6;
	s7 =	simm.s32 @p2 $0x1082  }
0x22: {  	[simem:s7], [sflag:s8] =	dma.local @!p0 [hbm:s6], $0xF7A  }
0x23: {  	s9 =	sor.u32 $0xD0000000, s2;
	s6 =	simm.s32 $0x108;
	_ =	swait.ge @!p0 [sflag:s8], $0x0  }
0x24: {  	s3 =	sadd.s32 $0x88, s3;
	s6 =	simm.s32 @!p1 $0x1082;
	[sflag:s4] =	ssyncset.s32 $0xFFFFF086  }
0x25: {  	[simem:s6], [sflag:s4] =	dma.local [hbm:s3], $0xF7A  }
0x26: {  	[smem:$0x3F9E] =	sst s1;
	(tag) =	ssettag s2;
	_ =	strace s9  }
0x27: {  	s1 =	sld [smem:$0x3FAE]  }
0x28: {  	s2 =	sld [smem:$0x3FAF]  }
0x29: {  	s4 =	sld [smem:$0x3FB1]  }
0x2a: {  	p0 =	seq.s32 s5, $0x0;
	s5 =	sld [smem:$0x3FB2]  }
0x2b: {  	s6 =	sld [smem:$0x3FB3]  }
0x2c: {  	s7 =	sld [smem:$0x3FB4]  }
0x2d: {  	s3 =	simm.s32 $0x108;
	s8 =	sld [smem:$0x3FB5]  }
0x2e: {  	s3 =	simm.s32 @!p0 $0x1082;
	s9 =	sld [smem:$0x3FB6]  }
0x2f: {  	lr =	sadd.s32 s0, s3;
	s0 =	sld [smem:$0x3FAD]  }
0x30: {  	s3 =	sld [smem:$0x3FB0]  }
0x31: {  	[smem:$0x3FB9] =	sst s10  }
0x32: {  	s10 =	sld [smem:$0x3FB7];
	_ =	sdelay $0x3  }
0x33: {  	p0 =	seq.s32 s10, $0x1;
	s10 =	sld [smem:$0x3FB9];
	_ =	sdelay $0x3  }
0x34: {  	[smem:$0x3FB9] =	sst s10  }
0x35: {  	s10 =	sld [smem:$0x3FB8];
	_ =	sdelay $0x3  }
0x36: {  	p1 =	seq.s32 s10, $0x1;
	s10 =	sld [smem:$0x3FB9];
	_ =	sdelay $0x3  }
0x37: {  	[smem:$0x3FB9] =	sst s10  }
0x38: {  	s10 =	sld [smem:$0x3FBA]  }
0x39: {  	_ = 	snop;
	(pc) =	sbr.ind lr, $3  }
0x3a: {  	_ = 	snop  }
0x3b: {  	_ = 	snop  }
0x3c: {  	p2 =	seq.s32 s10, $0x1;
	s10 =	sld [smem:$0x3FB9]  }
0x3d: {  	_ =	shalt  }
0x3e: {  	_ =	shalt  }
0x3f: {  	_ =	shalt  }
0x40: {  	_ =	shalt  }
0x41: {  	_ =	shalt  }
0x42: {  	_ =	shalt  }
0x43: {  	_ =	shalt  }
0x44: {  	_ =	shalt  }
0x45: {  	_ =	shalt  }
0x46: {  	_ =	shalt  }
0x47: {  	_ =	shalt  }
0x48: {  	_ =	shalt  }
0x49: {  	_ =	shalt  }
0x4a: {  	_ =	shalt  }
0x4b: {  	_ =	shalt  }
0x4c: {  	_ =	shalt  }
0x4d: {  	_ =	shalt  }
0x4e: {  	_ =	shalt  }
0x4f: {  	_ =	shalt  }
0x50: {  	_ =	shalt  }
0x51: {  	_ =	shalt  }
0x52: {  	_ =	shalt  }
0x53: {  	_ =	shalt  }
0x54: {  	_ =	shalt  }
0x55: {  	_ =	shalt  }
0x56: {  	_ =	shalt  }
0x57: {  	_ =	shalt  }
0x58: {  	_ =	shalt  }
0x59: {  	_ =	shalt  }
0x5a: {  	_ =	shalt  }
0x5b: {  	_ =	shalt  }
0x5c: {  	_ =	shalt  }
0x5d: {  	_ =	shalt  }
0x5e: {  	_ =	shalt  }
0x5f: {  	_ =	shalt  }
0x60: {  	_ =	shalt  }
0x61: {  	_ =	shalt  }
0x62: {  	_ =	shalt  }
0x63: {  	_ =	shalt  }
0x64: {  	_ =	shalt  }
0x65: {  	_ =	shalt  }
0x66: {  	_ =	shalt  }
0x67: {  	_ =	shalt  }
0x68: {  	_ =	shalt  }
0x69: {  	_ =	shalt  }
0x6a: {  	_ =	shalt  }
0x6b: {  	_ =	shalt  }
0x6c: {  	_ =	shalt  }
0x6d: {  	_ =	shalt  }
0x6e: {  	_ =	shalt  }
0x6f: {  	_ =	shalt  }
0x70: {  	_ =	shalt  }
0x71: {  	_ =	shalt  }
0x72: {  	_ =	shalt  }
0x73: {  	_ =	shalt  }
0x74: {  	_ =	shalt  }
0x75: {  	_ =	shalt  }
0x76: {  	_ =	shalt  }
0x77: {  	_ =	shalt  }
0x78: {  	_ =	shalt  }
0x79: {  	_ =	shalt  }
0x7a: {  	_ =	shalt  }
0x7b: {  	_ =	shalt  }
0x7c: {  	_ =	shalt  }
0x7d: {  	_ =	shalt  }
0x7e: {  	_ =	shalt  }
0x7f: {  	_ =	shalt  }
0x80: {  	_ =	shalt  }
0x81: {  	_ =	shalt  }
0x82: {  	_ =	shalt  }
0x83: {  	_ =	shalt  }
0x84: {  	_ =	shalt  }
0x85: {  	_ =	shalt  }
0x86: {  	_ =	shalt  }
0x87: {  	_ =	shalt  }
.Lfunc_end0:
.L_simem_size_0:
called_computation_lowered:
.L_overlay_start_0:
0x88: {  	s2 =	sld [smem:$0x3FD9]  }
0x89: {  	s3 =	sld [smem:$0x3FFE];
	_ =	sdelay $0x1  }
0x8a: {  	s1 =	srdreg.scid  }
0x8b: {  	s0 =	sand.u32 $0x1, s1  }
0x8c: {  	s14 =	sshll.u32 s0, $0xA;
	s2 =	sadd.s32 s3, s2  }
0x8d: {  	s2 =	sadd.s32 s2, s14  }
0x8e: {  	[smem:$0x3FC5] =	sst s2  }
0x8f: {  	_ = 	snop  }
0x90: {  	s2 =	sld [smem:$0x3FD0];
	_ =	sdelay $0x2  }
0x91: {  	s15 =	simm.s32 $0xA;
	s4 =	simm.s32 $0x10  }
0x92: {  	[smem:s4], [sflag:s15] =	dma.local [hbm:s2], $0x1  }
0x93: {  	_ =	swait.eq [sflag:s15], $0x1  }
0x94: {  	[sflag:s15] =	ssyncset.done $0x0  }
0x95: {  	[sflag:s15] =	ssyncadd.s32 $0xFFFFFFFF  }
0x96: {  	s16 =	sld [smem:$0x13];
	(tm) =	ssettm $0x1  }
0x97: {  	s17 =	sld [smem:$0x3FFB];
	_ =	sdelay $0x3  }
0x98: {  	_ =	strace s17  }
0x99: {  	s3 =	sld [smem:$0x3FFC];
	_ =	sdelay $0x3  }
0x9a: {  	_ =	strace s3  }
0x9b: {  	s3 =	sld [smem:$0x3FFD];
	_ =	sdelay $0x3  }
0x9c: {  	_ =	strace s3  }
0x9d: {  	_ =	strace $0x8FFFFFFF  }
0x9e: {  	s18 =	sld [smem:$0x3FDB];
	_ =	sdelay $0x1  }
0x9f: {  	s19 =	simm.s32 $_scs_section_size  }
0xa0: {  	s5 =	simm.s32 $_size__tile_overlayer_lowered;
	s6 =	simm.s32 $_tile_overlayer_lowered  }
0xa1: {  	s22 =	simm.s32 $0x1BFF;
	s21 =	sshll.u32 s6, $0x1;
	s3 =	sadd.s32 s19, s18  }
0xa2: {  	s7 =	simm.s32 $0x0;
	s20 =	sshll.u32 s5, $0x1;
	s5 =	sadd.s32 s21, s3  }
0xa3: {  	[timem:s7], [sflag:s22] =	dma.local [hbm:s5], s20  }
0xa4: {  	_ =	swait.ge [sflag:s22], s20  }
0xa5: {  	s4 =	ssub.s32 $0x0, s20;
	[sflag:s22] =	ssyncset.done $0x0  }
0xa6: {  	[sflag:s22] =	ssyncadd.s32 s4;
	_ =	sdelay $0x1  }
0xa7: {  	s23 =	simm.s32 $0x1B8B  }
0xa8: {  	_ =	swait.ge [sflag:s23], $0x1  }
0xa9: {  	[sflag:s23] =	ssyncset.done $0x0  }
0xaa: {  	s25 =	simm.s32 $0x1B8E;
	s24 =	sld [smem:$0x3FFE];
	[sflag:s23] =	ssyncadd.s32 $0xFFFFFFFF  }
0xab: {  	s26 =	simm.s32 $execute0_lowered;
	[smem:$0x3FD2] =	sst s25  }
0xac: {  	s5 =	sshll.u32 s26, $0x1;
	_ =	strace $0x80000046;
	[dreg:$0x1] =	wrdreg $0xFFFFFFFF  }
0xad: {  	s28 =	simm.s32 $_size_execute0_lowered;
	s3 =	sadd.s32 s3, s5;
	[dreg:$0x0] =	wrdreg $0x0  }
0xae: {  	s5 =	sshll.u32 s28, $0x1;
	[dreg:$0x2] =	wrdreg s3  }
0xaf: {  	[dreg:$0x3] =	wrdreg s5  }
0xb0: {  	[dreg:$0x4] =	wrdreg $0xC0  }
0xb1: {  	_ =	task [dreg:s7], $0x5FFFF  }
0xb2: {  	[dreg:$0x1] =	wrdreg $0xFFFFFFFF  }
0xb3: {  	[dreg:$0x0] =	wrdreg $0x60  }
0xb4: {  	[dreg:$0x2] =	wrdreg s24  }
0xb5: {  	[dreg:$0x3] =	wrdreg s16  }
0xb6: {  	[dreg:$0x4] =	wrdreg $0x9  }
0xb7: {  	_ =	task.clear_ibuf [dreg:s7], $0x5FFFF;
	_ =	strace $0x90000046  }
0xb8: {  	s29 =	simm.s32 $0x9;
	_ =	strace $0x80000048  }
0xb9: {  	_ =	swait.ge [sflag:s29], $0x1  }
0xba: {  	[sflag:s29] =	ssyncadd.s32 $0xFFFFFFFF  }
0xbb: {  	_ =	strace $0x90000048  }
0xbc: {  	_ =	sfence  }
0xbd: {  	s30 =	sld [smem:$0x0];
	_ =	sdelay $0x2  }
0xbe: {  	s31 =	sshll.u32 s1, $0xD;
	s1 =	sshrl.u32 s1, $0x2  }
0xbf: {  	s3 =	sand.u32 $0x4000, s31;
	s1 =	sadd.s32 s1, s30  }
0xc0: {  	s0 =	sor.u32 s3, s0;
	s1 =	sshll.u32 s1, $0x11  }
0xc1: {  	s0 =	sor.u32 s1, s0  }
0xc2: {  	s0 =	sadd.s32 $0x8F2B, s0  }
0xc3: {  	[sflag:s0] =	ssyncadd.remote.s32 $0x1  }
0xc4: {  	_ =	sfence.sel $0xFFFF  }
0xc5: {  	[dreg:$0x0] =	wrdreg $0xFFFFFFFF;
	(pc) =	sbr.abs _section_cstart, $3  }
0xc6: {  	[dreg:$0x1] =	wrdreg $0xFFFFFFFF  }
0xc7: {  	_ =	task.clear_ibuf [dreg:s7], $0x2FFFF;
	_ =	strace $0x9FFFFFFF  }
0xc8: {  	(tm) =	ssettm $0x7FFFFFFF  }
0xc9: {  	_ =	shalt  }
tec
execute0_lowered:
.L_overlay_start_1:
0x0: {  	(tag) =	ssettag $0x1  }
0x1: {  	s3 =	stileid.u32  }
0x2: {  	p0 =	sgt.u32 s3, $0x1  }
.Ltmp0:
0x3: {  	_ = 	snop;
	(pc) =	sbr.rel @p0 .LBB2_19-.Ltmp0, $4  }
0x4: {  	_ = 	snop  }
0x5: {  	s1 =	rddreg [dreg:$0x0];
	s2 =	simm.s32 $0x0  }
0x6: {  	[smem:$0x7FF] =	sst s2  }
0x7: {  	s0 =	rddreg [dreg:$0x1];
	_ =	strace $0x80000047  }
0x8: {  	s3 =	srdreg.scid;
	s4 =	stileid.u32;
	s6 =	sadd.s32 $0x800, s1  }
0x9: {  	s26 =	sadd.s32 $0x900, s1;
	s7 =	sadd.s32 $0xC00, s1;
	s8 =	sadd.s32 $0xD00, s1  }
0xa: {  	s9 =	sadd.s32 $0xE00, s1;
	s10 =	sadd.s32 $0xF00, s1;
	s11 =	sadd.s32 $0x1000, s1  }
0xb: {  	s12 =	sadd.s32 $0x1100, s1;
	s13 =	sadd.s32 $0x1200, s1;
	s14 =	sadd.s32 $0x1300, s1  }
0xc: {  	s15 =	sadd.s32 $0x1400, s1;
	s3 =	sand.u32 $0x1, s3;
	s4 =	sshll.u32 s4, $0x1  }
0xd: {  	s16 =	sadd.s32 $0x1500, s1;
	s17 =	sadd.s32 $0x1600, s1;
	s4 =	sor.u32 s3, s4  }
0xe: {  	s29 =	simm.s32 $0x2;
	[dreg:$0x3] =	wrdreg s6;
	s5 =	smul.u32 $0x7800, s4  }
0xf: {  	[dreg:$0x4] =	wrdreg s26;
	s6 =	sadd.s32 $0xB00, s1;
	s30 =	ssub.s32 $0x2, s3  }
0x10: {  	s3 =	sshrl.u32 s30, $0x1;
	s31 =	sshll.u32 s4, $0x4;
	s5 =	sshrl.u32 s5, $0x3  }
0x11: {  	s26 =	sadd.s32 s0, s31;
	s0 =	simm.s32 $0x1;
	s25 =	sadd.s32 s5, s1  }
0x12: {  	s5 =	sadd.s32 $0xA00, s1;
	s1 =	ssub.s32 s30, s3;
	s18 =	sadd.s32 $0x8000, s25  }
0x13: {  	v0 =	vlaneseq.u32;
	s19 =	sadd.s32 $0x81E0, s25;
	s20 =	sadd.s32 $0x83C0, s25;
	s21 =	sadd.s32 $0x85A0, s25  }
0x14: {  	v1 =	vshrl.u32 v0, $0x3;
	s22 =	sadd.s32 $0x8780, s25;
	s23 =	sadd.s32 $0x8960, s25;
	s24 =	sadd.s32 $0x8B40, s25  }
0x15: {  	vm0 =	vmmov $0xffff;
	v0 =	vand.u32 $0x7, v0;
	v1 =	vmul.u32 $0x8, v1;
	s25 =	sadd.s32 $0x8D20, s25;
	s28 =	smax.u32 s1, $0x1;
	s1 =	simm.s32 $0x0  }
.LBB2_2:
0x16: {  	s3 =	simm.s32 $0x0  }
0x17: {  	[tilespmem:s3], [sflag:$0x2] =	stream.linear.gather [hbm4b:s26+s3], $0x80, $0x38;
	[tilespmem:$0x7880] =	vst v63  }
0x18: {  	_ =	swait.ge [sflag:s29], $0x80  }
0x19: {  	[sflag:s29] =	ssyncset.done $0x0  }
0x1a: {  	[sflag:s29] =	ssyncadd.s32 $0xFFFFFF80  }
0x1b: {  	v2 =	vld.msk [tilespmem:$0x0], $0xff;
	_ =	sdelay $0x4  }
0x1c: {  	v3 =	vshrl.u32 v2, $0x3  }
0x1d: {  	v3 =	vmul.u32 $0xF0, v3  }
0x1e: {  	v2 =	vand.u32 $0x7, v2  }
0x1f: {  	v2 =	vor.u32 v2, v3  }
0x20: {  	v2 =	vperm.xlane v2, v0;
	_ =	sdelay $0x1  }
0x21: {  	v2 =	vadd.s32 v1, v2;
	_ =	sdelay $0x3  }
0x22: {  	s30 =	simm.s32 $0x80;
	s4 =	rddreg [dreg:$0x3]  }
0x23: {  	[tilespmem:s30], [sflag:$0x1] =	stream.indirect_vreg.gather [hbm4b:s4+s3], $0x80, v2, vm0, $0xb8;
	[tilespmem:$0x7880] =	vst v63  }
0x24: {  	s31 =	simm.s32 $0x880;
	s4 =	rddreg [dreg:$0x4]  }
0x25: {  	[tilespmem:s31], [sflag:$0x1] =	stream.indirect_vreg.gather [hbm4b:s4+s3], $0x80, v2, vm0, $0xb8;
	[tilespmem:$0x7880] =	vst v63  }
0x26: {  	s4 =	simm.s32 $0x1080  }
0x27: {  	[tilespmem:s4], [sflag:$0x1] =	stream.indirect_vreg.gather [hbm4b:s5+s3], $0x80, v2, vm0, $0xb8;
	[tilespmem:$0x7880] =	vst v63  }
0x28: {  	s4 =	simm.s32 $0x1880  }
0x29: {  	[tilespmem:s4], [sflag:$0x1] =	stream.indirect_vreg.gather [hbm4b:s6+s3], $0x80, v2, vm0, $0xb8;
	[tilespmem:$0x7880] =	vst v63  }
0x2a: {  	s4 =	simm.s32 $0x2080  }
0x2b: {  	[tilespmem:s4], [sflag:$0x1] =	stream.indirect_vreg.gather [hbm4b:s7+s3], $0x80, v2, vm0, $0xb8;
	[tilespmem:$0x7880] =	vst v63  }
0x2c: {  	s4 =	simm.s32 $0x2880  }
0x2d: {  	[tilespmem:s4], [sflag:$0x1] =	stream.indirect_vreg.gather [hbm4b:s8+s3], $0x80, v2, vm0, $0xb8;
	[tilespmem:$0x7880] =	vst v63  }
0x2e: {  	s4 =	simm.s32 $0x3080  }
0x2f: {  	[tilespmem:s4], [sflag:$0x1] =	stream.indirect_vreg.gather [hbm4b:s9+s3], $0x80, v2, vm0, $0xb8;
	[tilespmem:$0x7880] =	vst v63  }
0x30: {  	s4 =	simm.s32 $0x3880  }
0x31: {  	[tilespmem:s4], [sflag:$0x1] =	stream.indirect_vreg.gather [hbm4b:s10+s3], $0x80, v2, vm0, $0xb8;
	[tilespmem:$0x7880] =	vst v63  }
0x32: {  	s4 =	simm.s32 $0x4080  }
0x33: {  	[tilespmem:s4], [sflag:$0x1] =	stream.indirect_vreg.gather [hbm4b:s11+s3], $0x80, v2, vm0, $0xb8;
	[tilespmem:$0x7880] =	vst v63  }
0x34: {  	s4 =	simm.s32 $0x4880  }
0x35: {  	[tilespmem:s4], [sflag:$0x1] =	stream.indirect_vreg.gather [hbm4b:s12+s3], $0x80, v2, vm0, $0xb8;
	[tilespmem:$0x7880] =	vst v63  }
0x36: {  	s4 =	simm.s32 $0x5080  }
0x37: {  	[tilespmem:s4], [sflag:$0x1] =	stream.indirect_vreg.gather [hbm4b:s13+s3], $0x80, v2, vm0, $0xb8;
	[tilespmem:$0x7880] =	vst v63  }
0x38: {  	s4 =	simm.s32 $0x5880  }
0x39: {  	[tilespmem:s4], [sflag:$0x1] =	stream.indirect_vreg.gather [hbm4b:s14+s3], $0x80, v2, vm0, $0xb8;
	[tilespmem:$0x7880] =	vst v63  }
0x3a: {  	s4 =	simm.s32 $0x6080  }
0x3b: {  	[tilespmem:s4], [sflag:$0x1] =	stream.indirect_vreg.gather [hbm4b:s15+s3], $0x80, v2, vm0, $0xb8;
	[tilespmem:$0x7880] =	vst v63  }
0x3c: {  	s4 =	simm.s32 $0x6880  }
0x3d: {  	[tilespmem:s4], [sflag:$0x1] =	stream.indirect_vreg.gather [hbm4b:s16+s3], $0x80, v2, vm0, $0xb8;
	[tilespmem:$0x7880] =	vst v63  }
0x3e: {  	s4 =	simm.s32 $0x7080  }
0x3f: {  	[tilespmem:s4], [sflag:$0x1] =	stream.indirect_vreg.gather [hbm4b:s17+s3], $0x80, v2, vm0, $0xb8;
	[tilespmem:$0x7880] =	vst v63  }
0x40: {  	_ =	swait.ge [sflag:s0], $0x7800  }
0x41: {  	s31 =	simm.s32 $0x10;
	[sflag:s0] =	ssyncset.done $0x0  }
0x42: {  	s4 =	sadd.s32 $0x0, s18;
	s3 =	simm.s32 $0x480;
	[sflag:s0] =	ssyncadd.s32 $0xFFFF8800  }
.LBB2_3:
0x43: {  	[hbm4b:s4+s2] =	stream.linear.scatter [tilespmem:s30], [sflag:$0x2], $0x80, $0x38;
	[tilespmem:$0x7880] =	vst v63  }
0x44: {  	s4 =	smov.u32 s31;
	s30 =	smov.u32 s3;
	p0 =	sne.s32 s31, $0x1D0  }
.Ltmp1:
0x45: {  	s31 =	sadd.s32 $0x10, s31;
	(pc) =	sbr.rel @p0 .LBB2_3-.Ltmp1, $2  }
0x46: {  	_ =	sdelay $0x2  }
0x47: {  	s3 =	sadd.s32 $0x400, s3;
	s4 =	sadd.s32 s4, s18  }
0x48: {  	[hbm4b:s4+s2] =	stream.linear.scatter [tilespmem:s30], [sflag:$0x2], $0x80, $0x38;
	[tilespmem:$0x7880] =	vst v63  }
0x49: {  	_ =	swait.ge [sflag:s29], $0xF00  }
0x4a: {  	s30 =	simm.s32 $0x100;
	s31 =	simm.s32 $0x10;
	[sflag:s29] =	ssyncset.done $0x0  }
0x4b: {  	s4 =	sadd.s32 $0x0, s19;
	s3 =	simm.s32 $0x500;
	[sflag:s29] =	ssyncadd.s32 $0xFFFFF100  }
.LBB2_5:
0x4c: {  	[hbm4b:s4+s2] =	stream.linear.scatter [tilespmem:s30], [sflag:$0x2], $0x80, $0x38;
	[tilespmem:$0x7880] =	vst v63  }
0x4d: {  	s4 =	smov.u32 s31;
	s30 =	smov.u32 s3;
	p0 =	sne.s32 s31, $0x1D0  }
.Ltmp2:
0x4e: {  	s31 =	sadd.s32 $0x10, s31;
	(pc) =	sbr.rel @p0 .LBB2_5-.Ltmp2, $2  }
0x4f: {  	_ =	sdelay $0x2  }
0x50: {  	s3 =	sadd.s32 $0x400, s3;
	s4 =	sadd.s32 s4, s19  }
0x51: {  	[hbm4b:s4+s2] =	stream.linear.scatter [tilespmem:s30], [sflag:$0x2], $0x80, $0x38;
	[tilespmem:$0x7880] =	vst v63  }
0x52: {  	_ =	swait.ge [sflag:s29], $0xF00  }
0x53: {  	s30 =	simm.s32 $0x180;
	s31 =	simm.s32 $0x10;
	[sflag:s29] =	ssyncset.done $0x0  }
0x54: {  	s4 =	sadd.s32 $0x0, s20;
	s3 =	simm.s32 $0x580;
	[sflag:s29] =	ssyncadd.s32 $0xFFFFF100  }
.LBB2_7:
0x55: {  	[hbm4b:s4+s2] =	stream.linear.scatter [tilespmem:s30], [sflag:$0x2], $0x80, $0x38;
	[tilespmem:$0x7880] =	vst v63  }
0x56: {  	s4 =	smov.u32 s31;
	s30 =	smov.u32 s3;
	p0 =	sne.s32 s31, $0x1D0  }
.Ltmp3:
0x57: {  	s31 =	sadd.s32 $0x10, s31;
	(pc) =	sbr.rel @p0 .LBB2_7-.Ltmp3, $2  }
0x58: {  	_ =	sdelay $0x2  }
0x59: {  	s3 =	sadd.s32 $0x400, s3;
	s4 =	sadd.s32 s4, s20  }
0x5a: {  	[hbm4b:s4+s2] =	stream.linear.scatter [tilespmem:s30], [sflag:$0x2], $0x80, $0x38;
	[tilespmem:$0x7880] =	vst v63  }
0x5b: {  	_ =	swait.ge [sflag:s29], $0xF00  }
0x5c: {  	s30 =	simm.s32 $0x200;
	s31 =	simm.s32 $0x10;
	[sflag:s29] =	ssyncset.done $0x0  }
0x5d: {  	s4 =	sadd.s32 $0x0, s21;
	s3 =	simm.s32 $0x600;
	[sflag:s29] =	ssyncadd.s32 $0xFFFFF100  }
.LBB2_9:
0x5e: {  	[hbm4b:s4+s2] =	stream.linear.scatter [tilespmem:s30], [sflag:$0x2], $0x80, $0x38;
	[tilespmem:$0x7880] =	vst v63  }
0x5f: {  	s4 =	smov.u32 s31;
	s30 =	smov.u32 s3;
	p0 =	sne.s32 s31, $0x1D0  }
.Ltmp4:
0x60: {  	s31 =	sadd.s32 $0x10, s31;
	(pc) =	sbr.rel @p0 .LBB2_9-.Ltmp4, $2  }
0x61: {  	_ =	sdelay $0x2  }
0x62: {  	s3 =	sadd.s32 $0x400, s3;
	s4 =	sadd.s32 s4, s21  }
0x63: {  	[hbm4b:s4+s2] =	stream.linear.scatter [tilespmem:s30], [sflag:$0x2], $0x80, $0x38;
	[tilespmem:$0x7880] =	vst v63  }
0x64: {  	_ =	swait.ge [sflag:s29], $0xF00  }
0x65: {  	s30 =	simm.s32 $0x280;
	s31 =	simm.s32 $0x10;
	[sflag:s29] =	ssyncset.done $0x0  }
0x66: {  	s4 =	sadd.s32 $0x0, s22;
	s3 =	simm.s32 $0x680;
	[sflag:s29] =	ssyncadd.s32 $0xFFFFF100  }
.LBB2_11:
0x67: {  	[hbm4b:s4+s2] =	stream.linear.scatter [tilespmem:s30], [sflag:$0x2], $0x80, $0x38;
	[tilespmem:$0x7880] =	vst v63  }
0x68: {  	s4 =	smov.u32 s31;
	s30 =	smov.u32 s3;
	p0 =	sne.s32 s31, $0x1D0  }
.Ltmp5:
0x69: {  	s31 =	sadd.s32 $0x10, s31;
	(pc) =	sbr.rel @p0 .LBB2_11-.Ltmp5, $2  }
0x6a: {  	_ =	sdelay $0x2  }
0x6b: {  	s3 =	sadd.s32 $0x400, s3;
	s4 =	sadd.s32 s4, s22  }
0x6c: {  	[hbm4b:s4+s2] =	stream.linear.scatter [tilespmem:s30], [sflag:$0x2], $0x80, $0x38;
	[tilespmem:$0x7880] =	vst v63  }
0x6d: {  	_ =	swait.ge [sflag:s29], $0xF00  }
0x6e: {  	s30 =	simm.s32 $0x300;
	s31 =	simm.s32 $0x10;
	[sflag:s29] =	ssyncset.done $0x0  }
0x6f: {  	s4 =	sadd.s32 $0x0, s23;
	s3 =	simm.s32 $0x700;
	[sflag:s29] =	ssyncadd.s32 $0xFFFFF100  }
.LBB2_13:
0x70: {  	[hbm4b:s4+s2] =	stream.linear.scatter [tilespmem:s30], [sflag:$0x2], $0x80, $0x38;
	[tilespmem:$0x7880] =	vst v63  }
0x71: {  	s4 =	smov.u32 s31;
	s30 =	smov.u32 s3;
	p0 =	sne.s32 s31, $0x1D0  }
.Ltmp6:
0x72: {  	s31 =	sadd.s32 $0x10, s31;
	(pc) =	sbr.rel @p0 .LBB2_13-.Ltmp6, $2  }
0x73: {  	_ =	sdelay $0x2  }
0x74: {  	s3 =	sadd.s32 $0x400, s3;
	s4 =	sadd.s32 s4, s23  }
0x75: {  	[hbm4b:s4+s2] =	stream.linear.scatter [tilespmem:s30], [sflag:$0x2], $0x80, $0x38;
	[tilespmem:$0x7880] =	vst v63  }
0x76: {  	_ =	swait.ge [sflag:s29], $0xF00  }
0x77: {  	s30 =	simm.s32 $0x380;
	s31 =	simm.s32 $0x10;
	[sflag:s29] =	ssyncset.done $0x0  }
0x78: {  	s4 =	sadd.s32 $0x0, s24;
	s3 =	simm.s32 $0x780;
	[sflag:s29] =	ssyncadd.s32 $0xFFFFF100  }
.LBB2_15:
0x79: {  	[hbm4b:s4+s2] =	stream.linear.scatter [tilespmem:s30], [sflag:$0x2], $0x80, $0x38;
	[tilespmem:$0x7880] =	vst v63  }
0x7a: {  	s4 =	smov.u32 s31;
	s30 =	smov.u32 s3;
	p0 =	sne.s32 s31, $0x1D0  }
.Ltmp7:
0x7b: {  	s31 =	sadd.s32 $0x10, s31;
	(pc) =	sbr.rel @p0 .LBB2_15-.Ltmp7, $2  }
0x7c: {  	_ =	sdelay $0x2  }
0x7d: {  	s3 =	sadd.s32 $0x400, s3;
	s4 =	sadd.s32 s4, s24  }
0x7e: {  	[hbm4b:s4+s2] =	stream.linear.scatter [tilespmem:s30], [sflag:$0x2], $0x80, $0x38;
	[tilespmem:$0x7880] =	vst v63  }
0x7f: {  	_ =	swait.ge [sflag:s29], $0xF00  }
0x80: {  	s30 =	simm.s32 $0x400;
	s31 =	simm.s32 $0x10;
	[sflag:s29] =	ssyncset.done $0x0  }
0x81: {  	s4 =	sadd.s32 $0x0, s25;
	s3 =	simm.s32 $0x800;
	[sflag:s29] =	ssyncadd.s32 $0xFFFFF100  }
.LBB2_17:
0x82: {  	[hbm4b:s4+s2] =	stream.linear.scatter [tilespmem:s30], [sflag:$0x2], $0x80, $0x38;
	[tilespmem:$0x7880] =	vst v63  }
0x83: {  	s4 =	smov.u32 s31;
	s30 =	smov.u32 s3;
	p0 =	sne.s32 s31, $0x1D0  }
.Ltmp8:
0x84: {  	s31 =	sadd.s32 $0x10, s31;
	(pc) =	sbr.rel @p0 .LBB2_17-.Ltmp8, $2  }
0x85: {  	_ =	sdelay $0x2  }
0x86: {  	s3 =	sadd.s32 $0x400, s3;
	s4 =	sadd.s32 s4, s25  }
0x87: {  	s1 =	sadd.s32 $0x1, s1  }
0x88: {  	p0 =	sne.s32 s1, s28  }
.Ltmp9:
0x89: {  	_ = 	snop;
	(pc) =	sbr.rel @p0 .LBB2_2-.Ltmp9, $4  }
0x8a: {  	[hbm4b:s4+s2] =	stream.linear.scatter [tilespmem:s30], [sflag:$0x2], $0x80, $0x38;
	[tilespmem:$0x7880] =	vst v63  }
0x8b: {  	_ =	swait.ge [sflag:s29], $0xF00  }
0x8c: {  	[sflag:s29] =	ssyncset.done $0x0  }
0x8d: {  	[sflag:s29] =	ssyncadd.s32 $0xFFFFF100  }
.LBB2_19:
0x8e: {  	_ =	sfence.sel $0x180000  }
0x8f: {  	[bflag:$0x0] =	sbarrier.arrive $0xFFFF  }
0x90: {  	_ =	strace $0x90000047  }
0x91: {  	s0 =	stileid.u32;
	[bflag:$0x2] =	sbarrier.arrive $0xFFFF  }
0x92: {  	p0 =	sne.s32 s0, $0x0;
	s0 =	rddreg [dreg:$0x2]  }
0x93: {  	s0 =	sadd.s32 @!p0 $0x100000, s0  }
0x94: {  	[sflag:s0] =	ssyncadd.tile.s32 @!p0 $0x1;
	_ =	shalt  }
.Lfunc_end2:
_tile_overlayer_lowered:
.L_overlay_start_2:
0x95: {  	(tag) =	ssettag $0x2  }
0x96: {  	s0 =	rddreg [dreg:$0x0];
	s2 =	stileid.u32  }
0x97: {  	s1 =	rddreg [dreg:$0x1];
	p0 =	sne.s32 s2, $0x0  }
0x98: {  	s3 =	rddreg [dreg:$0x2];
	[bflag:$0x3] =	sbarrier.arrive $0xFFFF;
	s2 =	simm.s32 @!p0 $0x1C02  }
0x99: {  	[timem:s3], [sflag:s2] =	dma.local @!p0 [hbm:s0], s1  }
0x9a: {  	s0 =	simm.s32 @!p0 $0x2  }
0x9b: {  	_ =	swait.ge @!p0 [sflag:s0], s1  }
0x9c: {  	s1 =	ssub.s32 @!p0 $0x0, s1;
	[sflag:s0] =	ssyncset.done @!p0 $0x0  }
0x9d: {  	[sflag:s0] =	ssyncadd.s32 @!p0 s1  }
0x9e: {  	[bflag:$0x3] =	sbarrier.arrive $0xFFFF  }
0x9f: {  	_ =	shalt  }

</sc_bundles>
